<compile_context>
chip_gen: v7x
topology: tpu7x:2x2x1
jax: 0.10.2.dev20260603
libtpu: 0.0.44.dev20260713+nightly
codegen_flags: <defaults>
</compile_context>

<pallas_src>
import functools

import jax
import jax.numpy as jnp
from jax import lax
from jax.experimental import pallas as pl
from jax.experimental.pallas import tpu as pltpu
from jax.experimental.pallas import tpu_sc as plsc

NC = 2
NS = 16
L = 16
NW = NC * NS

E = 4096
UNROLL = 8
TPW = 4


@functools.partial(jax.jit, static_argnames=("n_chunks", "shift"))
def _sc_spmm(xp, idx, bias, n_chunks, shift):
    n_pairs, n_in = xp.shape
    n_out = bias.shape[0]
    T = n_pairs * 2
    cmask = (1 << shift) - 1
    mesh = plsc.VectorSubcoreMesh(
        core_axis_name="c", subcore_axis_name="s", num_cores=NC, num_subcores=NS
    )

    @functools.partial(
        pl.kernel,
        out_type=jax.ShapeDtypeStruct((T, n_out), jnp.float32),
        mesh=mesh,
        compiler_params=pltpu.CompilerParams(needs_layout_passes=False),
        scratch_types=(
            [pltpu.VMEM((n_in,), jnp.int32) for _ in range(TPW // 2)]
            + [pltpu.VMEM((n_out,), jnp.float32) for _ in range(TPW)]
            + [pltpu.VMEM((2, E), jnp.int32) for _ in range(2)]
            + [pltpu.SemaphoreType.DMA for _ in range(2)]
        ),
    )
    def body(xp_hbm, idx_hbm, bias_hbm, out_hbm, *scratch):
        x_v = scratch[:TPW // 2]
        y_v = scratch[TPW // 2:TPW // 2 + TPW]
        idx_v = scratch[TPW // 2 + TPW:TPW // 2 + TPW + 2]
        sems = scratch[TPW // 2 + TPW + 2:]
        wid = lax.axis_index("s") * NC + lax.axis_index("c")
        t0 = wid * TPW

        for pp in range(TPW // 2):
            pltpu.sync_copy(xp_hbm.at[wid * (TPW // 2) + pp], x_v[pp])
        for tl in range(TPW):
            pltpu.sync_copy(bias_hbm, y_v[tl])

        def start(ci, b):
            pltpu.make_async_copy(idx_hbm.at[ci], idx_v[b], sems[b]).start()

        def wait(b):
            pltpu.make_async_copy(idx_hbm.at[0], idx_v[b], sems[b]).wait()

        def compute(b):
            @plsc.parallel_loop(0, E, step=L, unroll=UNROLL)
            def group_body(off):
                cr16 = idx_v[b][0, pl.ds(off, L)]
                v16 = plsc.bitcast(idx_v[b][1, pl.ds(off, L)], jnp.float32)
                c16 = lax.bitwise_and(cr16, cmask)
                r16 = lax.shift_right_logical(cr16, shift)
                for pp in range(TPW // 2):
                    g = plsc.load_gather(x_v[pp], [c16])
                    x_ev = plsc.bitcast(
                        lax.bitwise_and(g, jnp.int32(-65536)), jnp.float32
                    )
                    x_od = plsc.bitcast(lax.shift_left(g, 16), jnp.float32)
                    plsc.addupdate_scatter(
                        y_v[2 * pp], [r16], x_ev * v16 + x_od * v16
                    )

        start(0, 0)

        def chunk_pair(ci2, _):
            ci = ci2 * 2

            @pl.when(ci + 1 < n_chunks)
            def _():
                start(ci + 1, 1)

            wait(0)
            compute(0)

            @pl.when(ci + 2 < n_chunks)
            def _():
                start(ci + 2, 0)

            wait(1)
            compute(1)
            return 0

        lax.fori_loop(0, n_chunks // 2, chunk_pair, 0)
        for tl in range(TPW):
            pltpu.sync_copy(y_v[tl], out_hbm.at[t0 + tl])

    return body(xp, idx, bias)


def kernel(x, w_rows, w_cols, w_vals, bias):
    b, s, n_in = x.shape
    t = b * s
    n_out = bias.shape[0]
    shift = (n_in - 1).bit_length()

    xb = lax.bitcast_convert_type(
        x.reshape(t, n_in).astype(jnp.bfloat16), jnp.uint16
    ).astype(jnp.int32)
    xp = (xb[0::2] << 16) | xb[1::2]

    nnz = w_rows.shape[0]
    pair = 2 * E
    nnz_pad = ((nnz + pair - 1) // pair) * pair
    pad = nnz_pad - nnz
    n_chunks = nnz_pad // E
    cr = jnp.pad(w_rows.astype(jnp.int32) << shift | w_cols, (0, pad))
    vv = lax.bitcast_convert_type(jnp.pad(w_vals, (0, pad)), jnp.int32)
    idx = jnp.stack(
        [cr.reshape(n_chunks, E), vv.reshape(n_chunks, E)], axis=1
    )
    y = _sc_spmm(xp, idx, bias, n_chunks, shift)
    return y.reshape(b, s, n_out)

# --- scband reference (transcript-rebuilt; emitter-appended) ---
"""Pipeline reference for scband-sparse-linear-9861244911617 (READ-ONLY COPY).

The authoritative reference and input builder live on the scoring server;
editing this copy changes nothing except your own understanding.
"""

import jax, jax.numpy as jnp
import numpy as np

N_OUT = 16384
N_IN = 16384
NNZ = 268435
BATCH = 4
SEQ = 32


def setup_inputs(seed: int = 0) -> dict:
    key = jax.random.key(seed)
    k1, k2, k3, k4, k5 = jax.random.split(key, 5)
    x = jax.random.normal(k1, (BATCH, SEQ, N_IN), dtype=jnp.float32)
    w_rows = jax.random.randint(k2, (NNZ,), 0, N_OUT, dtype=jnp.int32)
    w_cols = jax.random.randint(k3, (NNZ,), 0, N_IN, dtype=jnp.int32)
    w_vals = jax.random.normal(k4, (NNZ,), dtype=jnp.float32) * 0.02
    bias = jax.random.normal(k5, (N_OUT,), dtype=jnp.float32) * 0.01
    return {"x": x, "w_rows": w_rows, "w_cols": w_cols, "w_vals": w_vals, "bias": bias}


def reference(x, w_rows, w_cols, w_vals, bias):
    # Faithful translation of SparseLinear.forward:
    #   y_flat_t = sparse.mm(W[out,in], x_flat[in, T]); y = y_flat_t.T + bias
    # Sparse COO mm implemented as gather (by col index) + scatter-add (segment_sum by row index).
    # Note: coalesce() sums duplicate COO entries; segment_sum is additive so duplicates
    # are handled with identical semantics.
    orig_shape = x.shape
    x_flat_t = x.reshape(-1, orig_shape[-1]).T        # [N_IN, T]
    contrib = x_flat_t[w_cols, :] * w_vals[:, None]   # [NNZ, T] gather rows of x by col idx
    y_flat_t = jax.ops.segment_sum(contrib, w_rows, num_segments=N_OUT)  # [N_OUT, T]
    y_flat = y_flat_t.T                               # [T, N_OUT]
    y = y_flat.reshape(*orig_shape[:-1], N_OUT)
    y = y + bias
    return y

if __name__ == "__main__":
    import jax
    _d = setup_inputs()
    print(jax.jit(kernel)(*tuple(_d.values())))

</pallas_src>

<mosaic_0001>
#map = affine_map<(d0, d1) -> (0, 0)>
#map1 = affine_map<(d0, d1) -> (0, 0, 0)>
#map2 = affine_map<(d0, d1) -> (0)>
module attributes {stable_mosaic.version = 14 : i64} {
  func.func @body(%arg0: i32, %arg1: i32, %arg2: memref<64x16384xi32, #tpu.memory_space<hbm>>, %arg3: memref<66x2x4096xi32, #tpu.memory_space<hbm>>, %arg4: memref<16384xf32, #tpu.memory_space<hbm>>, %arg5: memref<128x16384xf32, #tpu.memory_space<hbm>>, %arg6: memref<16384xi32, #tpu.memory_space<vmem>>, %arg7: memref<16384xi32, #tpu.memory_space<vmem>>, %arg8: memref<16384xf32, #tpu.memory_space<vmem>>, %arg9: memref<16384xf32, #tpu.memory_space<vmem>>, %arg10: memref<16384xf32, #tpu.memory_space<vmem>>, %arg11: memref<16384xf32, #tpu.memory_space<vmem>>, %arg12: memref<2x4096xi32, #tpu.memory_space<vmem>>, %arg13: memref<2x4096xi32, #tpu.memory_space<vmem>>, %arg14: memref<!tpu.dma_semaphore, #tpu.memory_space<semaphore_mem>>, %arg15: memref<!tpu.dma_semaphore, #tpu.memory_space<semaphore_mem>>) attributes {dimension_semantics = [#tpu.dimension_semantics<core_parallel>, #tpu.dimension_semantics<subcore_parallel>], iteration_bounds = array<i64: 2, 16>, scalar_prefetch = 0 : i64, scratch_operands = 10 : i64, tpu.core_type = #tpu.core_type<sc_vector_subcore>, window_params = [{transform_indices = #map}, {transform_indices = #map1}, {transform_indices = #map2}, {transform_indices = #map}]} {
    %mul3A = arith.constant 2 : i32
    %mul3A_0 = arith.muli %arg1, %mul3A : i32
    %add3A = arith.addi %mul3A_0, %arg0 : i32
    %mul3A_1 = arith.constant 4 : i32
    %mul3A_2 = arith.muli %add3A, %mul3A_1 : i32
    %mul3A_3 = arith.constant 2 : i32
    %mul3A_4 = arith.muli %add3A, %mul3A_3 : i32
    %add3A_5 = arith.constant 0 : i32
    %add3A_6 = arith.addi %mul3A_4, %add3A_5 : i32
    "tpu.region"() ({
      %run_scoped3A = tpu.sem_alloc : memref<!tpu.dma_semaphore, #tpu.memory_space<semaphore_mem>>
      %dma_start3A_33 = arith.constant 0 : i32
      %dma_start3A_34 = tpu.memref_slice %arg2[%add3A_6, %dma_start3A_33] : memref<64x16384xi32, #tpu.memory_space<hbm>> -> memref<1x16384xi32, #tpu.memory_space<hbm>>
      %dma_start3A_35 = tpu.memref_squeeze %dma_start3A_34 : memref<1x16384xi32, #tpu.memory_space<hbm>> -> memref<16384xi32, #tpu.memory_space<hbm>>
      %dma_start3A_36 = arith.constant 0 : i32
      %dma_start3A_37 = tpu.memref_slice %arg2[%add3A_6, %dma_start3A_36] : memref<64x16384xi32, #tpu.memory_space<hbm>> -> memref<1x16384xi32, #tpu.memory_space<hbm>>
      %dma_start3A_38 = tpu.memref_squeeze %dma_start3A_37 : memref<1x16384xi32, #tpu.memory_space<hbm>> -> memref<16384xi32, #tpu.memory_space<hbm>>
      tpu.enqueue_dma source(%dma_start3A_38 : memref<16384xi32, #tpu.memory_space<hbm>>) target(%arg6 : memref<16384xi32, #tpu.memory_space<vmem>>) target_semaphore(%run_scoped3A : memref<!tpu.dma_semaphore, #tpu.memory_space<semaphore_mem>>)
      %dma_wait3A = arith.constant 0 : i32
      %dma_wait3A_39 = tpu.memref_slice %arg2[%add3A_6, %dma_wait3A] : memref<64x16384xi32, #tpu.memory_space<hbm>> -> memref<1x16384xi32, #tpu.memory_space<hbm>>
      %dma_wait3A_40 = tpu.memref_squeeze %dma_wait3A_39 : memref<1x16384xi32, #tpu.memory_space<hbm>> -> memref<16384xi32, #tpu.memory_space<hbm>>
      %dma_wait3A_41 = arith.constant 0 : i32
      %dma_wait3A_42 = tpu.memref_slice %arg2[%add3A_6, %dma_wait3A_41] : memref<64x16384xi32, #tpu.memory_space<hbm>> -> memref<1x16384xi32, #tpu.memory_space<hbm>>
      %dma_wait3A_43 = tpu.memref_squeeze %dma_wait3A_42 : memref<1x16384xi32, #tpu.memory_space<hbm>> -> memref<16384xi32, #tpu.memory_space<hbm>>
      tpu.wait_dma2 semaphore(%run_scoped3A : memref<!tpu.dma_semaphore, #tpu.memory_space<semaphore_mem>>) src(%dma_wait3A_43 : memref<16384xi32, #tpu.memory_space<hbm>>) dst(%arg6 : memref<16384xi32, #tpu.memory_space<vmem>>)
      tpu.yield
    }) : () -> ()
    %mul3A_7 = arith.constant 2 : i32
    %mul3A_8 = arith.muli %add3A, %mul3A_7 : i32
    %add3A_9 = arith.constant 1 : i32
    %add3A_10 = arith.addi %mul3A_8, %add3A_9 : i32
    "tpu.region"() ({
      %run_scoped3A = tpu.sem_alloc : memref<!tpu.dma_semaphore, #tpu.memory_space<semaphore_mem>>
      %dma_start3A_33 = arith.constant 0 : i32
      %dma_start3A_34 = tpu.memref_slice %arg2[%add3A_10, %dma_start3A_33] : memref<64x16384xi32, #tpu.memory_space<hbm>> -> memref<1x16384xi32, #tpu.memory_space<hbm>>
      %dma_start3A_35 = tpu.memref_squeeze %dma_start3A_34 : memref<1x16384xi32, #tpu.memory_space<hbm>> -> memref<16384xi32, #tpu.memory_space<hbm>>
      %dma_start3A_36 = arith.constant 0 : i32
      %dma_start3A_37 = tpu.memref_slice %arg2[%add3A_10, %dma_start3A_36] : memref<64x16384xi32, #tpu.memory_space<hbm>> -> memref<1x16384xi32, #tpu.memory_space<hbm>>
      %dma_start3A_38 = tpu.memref_squeeze %dma_start3A_37 : memref<1x16384xi32, #tpu.memory_space<hbm>> -> memref<16384xi32, #tpu.memory_space<hbm>>
      tpu.enqueue_dma source(%dma_start3A_38 : memref<16384xi32, #tpu.memory_space<hbm>>) target(%arg7 : memref<16384xi32, #tpu.memory_space<vmem>>) target_semaphore(%run_scoped3A : memref<!tpu.dma_semaphore, #tpu.memory_space<semaphore_mem>>)
      %dma_wait3A = arith.constant 0 : i32
      %dma_wait3A_39 = tpu.memref_slice %arg2[%add3A_10, %dma_wait3A] : memref<64x16384xi32, #tpu.memory_space<hbm>> -> memref<1x16384xi32, #tpu.memory_space<hbm>>
      %dma_wait3A_40 = tpu.memref_squeeze %dma_wait3A_39 : memref<1x16384xi32, #tpu.memory_space<hbm>> -> memref<16384xi32, #tpu.memory_space<hbm>>
      %dma_wait3A_41 = arith.constant 0 : i32
      %dma_wait3A_42 = tpu.memref_slice %arg2[%add3A_10, %dma_wait3A_41] : memref<64x16384xi32, #tpu.memory_space<hbm>> -> memref<1x16384xi32, #tpu.memory_space<hbm>>
      %dma_wait3A_43 = tpu.memref_squeeze %dma_wait3A_42 : memref<1x16384xi32, #tpu.memory_space<hbm>> -> memref<16384xi32, #tpu.memory_space<hbm>>
      tpu.wait_dma2 semaphore(%run_scoped3A : memref<!tpu.dma_semaphore, #tpu.memory_space<semaphore_mem>>) src(%dma_wait3A_43 : memref<16384xi32, #tpu.memory_space<hbm>>) dst(%arg7 : memref<16384xi32, #tpu.memory_space<vmem>>)
      tpu.yield
    }) : () -> ()
    "tpu.region"() ({
      %run_scoped3A = tpu.sem_alloc : memref<!tpu.dma_semaphore, #tpu.memory_space<semaphore_mem>>
      tpu.enqueue_dma source(%arg4 : memref<16384xf32, #tpu.memory_space<hbm>>) target(%arg8 : memref<16384xf32, #tpu.memory_space<vmem>>) target_semaphore(%run_scoped3A : memref<!tpu.dma_semaphore, #tpu.memory_space<semaphore_mem>>)
      tpu.wait_dma2 semaphore(%run_scoped3A : memref<!tpu.dma_semaphore, #tpu.memory_space<semaphore_mem>>) src(%arg4 : memref<16384xf32, #tpu.memory_space<hbm>>) dst(%arg8 : memref<16384xf32, #tpu.memory_space<vmem>>)
      tpu.yield
    }) : () -> ()
    "tpu.region"() ({
      %run_scoped3A = tpu.sem_alloc : memref<!tpu.dma_semaphore, #tpu.memory_space<semaphore_mem>>
      tpu.enqueue_dma source(%arg4 : memref<16384xf32, #tpu.memory_space<hbm>>) target(%arg9 : memref<16384xf32, #tpu.memory_space<vmem>>) target_semaphore(%run_scoped3A : memref<!tpu.dma_semaphore, #tpu.memory_space<semaphore_mem>>)
      tpu.wait_dma2 semaphore(%run_scoped3A : memref<!tpu.dma_semaphore, #tpu.memory_space<semaphore_mem>>) src(%arg4 : memref<16384xf32, #tpu.memory_space<hbm>>) dst(%arg9 : memref<16384xf32, #tpu.memory_space<vmem>>)
      tpu.yield
    }) : () -> ()
    "tpu.region"() ({
      %run_scoped3A = tpu.sem_alloc : memref<!tpu.dma_semaphore, #tpu.memory_space<semaphore_mem>>
      tpu.enqueue_dma source(%arg4 : memref<16384xf32, #tpu.memory_space<hbm>>) target(%arg10 : memref<16384xf32, #tpu.memory_space<vmem>>) target_semaphore(%run_scoped3A : memref<!tpu.dma_semaphore, #tpu.memory_space<semaphore_mem>>)
      tpu.wait_dma2 semaphore(%run_scoped3A : memref<!tpu.dma_semaphore, #tpu.memory_space<semaphore_mem>>) src(%arg4 : memref<16384xf32, #tpu.memory_space<hbm>>) dst(%arg10 : memref<16384xf32, #tpu.memory_space<vmem>>)
      tpu.yield
    }) : () -> ()
    "tpu.region"() ({
      %run_scoped3A = tpu.sem_alloc : memref<!tpu.dma_semaphore, #tpu.memory_space<semaphore_mem>>
      tpu.enqueue_dma source(%arg4 : memref<16384xf32, #tpu.memory_space<hbm>>) target(%arg11 : memref<16384xf32, #tpu.memory_space<vmem>>) target_semaphore(%run_scoped3A : memref<!tpu.dma_semaphore, #tpu.memory_space<semaphore_mem>>)
      tpu.wait_dma2 semaphore(%run_scoped3A : memref<!tpu.dma_semaphore, #tpu.memory_space<semaphore_mem>>) src(%arg4 : memref<16384xf32, #tpu.memory_space<hbm>>) dst(%arg11 : memref<16384xf32, #tpu.memory_space<vmem>>)
      tpu.yield
    }) : () -> ()
    %dma_start3A = arith.constant 0 : i32
    %dma_start3A_11 = arith.constant 0 : i32
    %dma_start3A_12 = arith.constant 0 : i32
    %dma_start3A_13 = tpu.memref_slice %arg3[%dma_start3A, %dma_start3A_11, %dma_start3A_12] : memref<66x2x4096xi32, #tpu.memory_space<hbm>> -> memref<1x2x4096xi32, #tpu.memory_space<hbm>>
    %dma_start3A_14 = tpu.memref_squeeze %dma_start3A_13 : memref<1x2x4096xi32, #tpu.memory_space<hbm>> -> memref<2x4096xi32, #tpu.memory_space<hbm>>
    %dma_start3A_15 = arith.constant 0 : i32
    %dma_start3A_16 = arith.constant 0 : i32
    %dma_start3A_17 = tpu.memref_slice %arg3[%dma_start3A, %dma_start3A_15, %dma_start3A_16] : memref<66x2x4096xi32, #tpu.memory_space<hbm>> -> memref<1x2x4096xi32, #tpu.memory_space<hbm>>
    %dma_start3A_18 = tpu.memref_squeeze %dma_start3A_17 : memref<1x2x4096xi32, #tpu.memory_space<hbm>> -> memref<2x4096xi32, #tpu.memory_space<hbm>>
    tpu.enqueue_dma source(%dma_start3A_18 : memref<2x4096xi32, #tpu.memory_space<hbm>>) target(%arg12 : memref<2x4096xi32, #tpu.memory_space<vmem>>) target_semaphore(%arg14 : memref<!tpu.dma_semaphore, #tpu.memory_space<semaphore_mem>>)
    %scan3A = arith.constant 0 : i32
    %scan3A_19 = arith.constant 0 : i32
    %scan3A_20 = arith.constant 33 : i32
    %scan3A_21 = arith.addi %scan3A_19, %scan3A_20 : i32
    %scan3A_22 = arith.constant 1 : i32
    %scan3A_23 = scf.for %scan3A_33 = %scan3A_19 to %scan3A_21 step %scan3A_22 iter_args(%scan3A_34 = %scan3A) -> (i32)  : i32 {
      %mul3A_35 = arith.constant 2 : i32
      %mul3A_36 = arith.muli %scan3A_33, %mul3A_35 : i32
      %add3A_37 = arith.constant 1 : i32
      %add3A_38 = arith.addi %mul3A_36, %add3A_37 : i32
      %lt3A = arith.constant 66 : i32
      %lt3A_39 = arith.cmpi slt, %add3A_38, %lt3A : i32
      %convert_element_type3A = arith.extui %lt3A_39 : i1 to i32
      %cond3A = arith.constant 0 : i32
      %cond3A_40 = arith.cmpi ne, %convert_element_type3A, %cond3A : i32
      scf.if %cond3A_40 {
        %add3A_71 = arith.constant 1 : i32
        %add3A_72 = arith.addi %mul3A_36, %add3A_71 : i32
        %dma_start3A_73 = arith.constant 0 : i32
        %dma_start3A_74 = arith.constant 0 : i32
        %dma_start3A_75 = tpu.memref_slice %arg3[%add3A_72, %dma_start3A_73, %dma_start3A_74] : memref<66x2x4096xi32, #tpu.memory_space<hbm>> -> memref<1x2x4096xi32, #tpu.memory_space<hbm>>
        %dma_start3A_76 = tpu.memref_squeeze %dma_start3A_75 : memref<1x2x4096xi32, #tpu.memory_space<hbm>> -> memref<2x4096xi32, #tpu.memory_space<hbm>>
        %dma_start3A_77 = arith.constant 0 : i32
        %dma_start3A_78 = arith.constant 0 : i32
        %dma_start3A_79 = tpu.memref_slice %arg3[%add3A_72, %dma_start3A_77, %dma_start3A_78] : memref<66x2x4096xi32, #tpu.memory_space<hbm>> -> memref<1x2x4096xi32, #tpu.memory_space<hbm>>
        %dma_start3A_80 = tpu.memref_squeeze %dma_start3A_79 : memref<1x2x4096xi32, #tpu.memory_space<hbm>> -> memref<2x4096xi32, #tpu.memory_space<hbm>>
        tpu.enqueue_dma source(%dma_start3A_80 : memref<2x4096xi32, #tpu.memory_space<hbm>>) target(%arg13 : memref<2x4096xi32, #tpu.memory_space<vmem>>) target_semaphore(%arg15 : memref<!tpu.dma_semaphore, #tpu.memory_space<semaphore_mem>>)
      } else {
      }
      %dma_wait3A = arith.constant 0 : i32
      %dma_wait3A_41 = arith.constant 0 : i32
      %dma_wait3A_42 = arith.constant 0 : i32
      %dma_wait3A_43 = tpu.memref_slice %arg3[%dma_wait3A, %dma_wait3A_41, %dma_wait3A_42] : memref<66x2x4096xi32, #tpu.memory_space<hbm>> -> memref<1x2x4096xi32, #tpu.memory_space<hbm>>
      %dma_wait3A_44 = tpu.memref_squeeze %dma_wait3A_43 : memref<1x2x4096xi32, #tpu.memory_space<hbm>> -> memref<2x4096xi32, #tpu.memory_space<hbm>>
      %dma_wait3A_45 = arith.constant 0 : i32
      %dma_wait3A_46 = arith.constant 0 : i32
      %dma_wait3A_47 = tpu.memref_slice %arg3[%dma_wait3A, %dma_wait3A_45, %dma_wait3A_46] : memref<66x2x4096xi32, #tpu.memory_space<hbm>> -> memref<1x2x4096xi32, #tpu.memory_space<hbm>>
      %dma_wait3A_48 = tpu.memref_squeeze %dma_wait3A_47 : memref<1x2x4096xi32, #tpu.memory_space<hbm>> -> memref<2x4096xi32, #tpu.memory_space<hbm>>
      tpu.wait_dma2 semaphore(%arg14 : memref<!tpu.dma_semaphore, #tpu.memory_space<semaphore_mem>>) src(%dma_wait3A_48 : memref<2x4096xi32, #tpu.memory_space<hbm>>) dst(%arg12 : memref<2x4096xi32, #tpu.memory_space<vmem>>)
      %parallel_loop3A = arith.constant 0 : i32
      %parallel_loop3A_49 = arith.constant 4096 : i32
      %parallel_loop3A_50 = arith.constant 16 : i32
      scf.for %parallel_loop3A_71 = %parallel_loop3A to %parallel_loop3A_49 step %parallel_loop3A_50  : i32 {
        %parallel_loop3A_72 = arith.constant 0 : i32
        %parallel_loop3A_73 = arith.index_cast %parallel_loop3A_72 : i32 to index
        %parallel_loop3A_74 = arith.index_cast %parallel_loop3A_71 : i32 to index
        %parallel_loop3A_75 = tpu.vector_load %arg12[%parallel_loop3A_73, %parallel_loop3A_74] {strides = array<i32>} : memref<2x4096xi32, #tpu.memory_space<vmem>>, vector<16xi32>,
        %parallel_loop3A_76 = arith.constant 1 : i32
        %parallel_loop3A_77 = arith.index_cast %parallel_loop3A_76 : i32 to index
        %parallel_loop3A_78 = arith.index_cast %parallel_loop3A_71 : i32 to index
        %parallel_loop3A_79 = tpu.vector_load %arg12[%parallel_loop3A_77, %parallel_loop3A_78] {strides = array<i32>} : memref<2x4096xi32, #tpu.memory_space<vmem>>, vector<16xi32>,
        %parallel_loop3A_80 = vector.bitcast %parallel_loop3A_79 : vector<16xi32> to vector<16xf32>
        %parallel_loop3A_81 = arith.constant 16383 : i32
        %parallel_loop3A_82 = vector.broadcast %parallel_loop3A_81 : i32 to vector<16xi32>
        %parallel_loop3A_83 = arith.andi %parallel_loop3A_75, %parallel_loop3A_82 : vector<16xi32>
        %parallel_loop3A_84 = arith.constant 14 : i32
        %parallel_loop3A_85 = vector.broadcast %parallel_loop3A_84 : i32 to vector<16xi32>
        %parallel_loop3A_86 = arith.shrui %parallel_loop3A_75, %parallel_loop3A_85 : vector<16xi32>
        %parallel_loop3A_87 = tpu.vector_load_idx %arg6[%parallel_loop3A_83] : memref<16384xi32, #tpu.memory_space<vmem>>[vector<16xi32>], vector<16xi32>,
        %parallel_loop3A_88 = arith.constant -65536 : i32
        %parallel_loop3A_89 = vector.broadcast %parallel_loop3A_88 : i32 to vector<16xi32>
        %parallel_loop3A_90 = arith.andi %parallel_loop3A_87, %parallel_loop3A_89 : vector<16xi32>
        %parallel_loop3A_91 = vector.bitcast %parallel_loop3A_90 : vector<16xi32> to vector<16xf32>
        %parallel_loop3A_92 = arith.constant 16 : i32
        %parallel_loop3A_93 = vector.broadcast %parallel_loop3A_92 : i32 to vector<16xi32>
        %parallel_loop3A_94 = arith.shli %parallel_loop3A_87, %parallel_loop3A_93 : vector<16xi32>
        %parallel_loop3A_95 = vector.bitcast %parallel_loop3A_94 : vector<16xi32> to vector<16xf32>
        %parallel_loop3A_96 = arith.mulf %parallel_loop3A_91, %parallel_loop3A_80 : vector<16xf32>
        %parallel_loop3A_97 = arith.mulf %parallel_loop3A_95, %parallel_loop3A_80 : vector<16xf32>
        %parallel_loop3A_98 = arith.addf %parallel_loop3A_96, %parallel_loop3A_97 : vector<16xf32>
        tpu.vector_store_idx %arg8[%parallel_loop3A_86], %parallel_loop3A_98 {add = true} : memref<16384xf32, #tpu.memory_space<vmem>>[vector<16xi32>], vector<16xf32>,
        %parallel_loop3A_99 = tpu.vector_load_idx %arg7[%parallel_loop3A_83] : memref<16384xi32, #tpu.memory_space<vmem>>[vector<16xi32>], vector<16xi32>,
        %parallel_loop3A_100 = arith.constant -65536 : i32
        %parallel_loop3A_101 = vector.broadcast %parallel_loop3A_100 : i32 to vector<16xi32>
        %parallel_loop3A_102 = arith.andi %parallel_loop3A_99, %parallel_loop3A_101 : vector<16xi32>
        %parallel_loop3A_103 = vector.bitcast %parallel_loop3A_102 : vector<16xi32> to vector<16xf32>
        %parallel_loop3A_104 = arith.constant 16 : i32
        %parallel_loop3A_105 = vector.broadcast %parallel_loop3A_104 : i32 to vector<16xi32>
        %parallel_loop3A_106 = arith.shli %parallel_loop3A_99, %parallel_loop3A_105 : vector<16xi32>
        %parallel_loop3A_107 = vector.bitcast %parallel_loop3A_106 : vector<16xi32> to vector<16xf32>
        %parallel_loop3A_108 = arith.mulf %parallel_loop3A_103, %parallel_loop3A_80 : vector<16xf32>
        %parallel_loop3A_109 = arith.mulf %parallel_loop3A_107, %parallel_loop3A_80 : vector<16xf32>
        %parallel_loop3A_110 = arith.addf %parallel_loop3A_108, %parallel_loop3A_109 : vector<16xf32>
        tpu.vector_store_idx %arg10[%parallel_loop3A_86], %parallel_loop3A_110 {add = true} : memref<16384xf32, #tpu.memory_space<vmem>>[vector<16xi32>], vector<16xf32>,
      } {sc.loop_unroll_factor = 8 : i64, sc.parallel_access}
      %add3A_51 = arith.constant 2 : i32
      %add3A_52 = arith.addi %mul3A_36, %add3A_51 : i32
      %lt3A_53 = arith.constant 66 : i32
      %lt3A_54 = arith.cmpi slt, %add3A_52, %lt3A_53 : i32
      %convert_element_type3A_55 = arith.extui %lt3A_54 : i1 to i32
      %cond3A_56 = arith.constant 0 : i32
      %cond3A_57 = arith.cmpi ne, %convert_element_type3A_55, %cond3A_56 : i32
      scf.if %cond3A_57 {
        %add3A_71 = arith.constant 2 : i32
        %add3A_72 = arith.addi %mul3A_36, %add3A_71 : i32
        %dma_start3A_73 = arith.constant 0 : i32
        %dma_start3A_74 = arith.constant 0 : i32
        %dma_start3A_75 = tpu.memref_slice %arg3[%add3A_72, %dma_start3A_73, %dma_start3A_74] : memref<66x2x4096xi32, #tpu.memory_space<hbm>> -> memref<1x2x4096xi32, #tpu.memory_space<hbm>>
        %dma_start3A_76 = tpu.memref_squeeze %dma_start3A_75 : memref<1x2x4096xi32, #tpu.memory_space<hbm>> -> memref<2x4096xi32, #tpu.memory_space<hbm>>
        %dma_start3A_77 = arith.constant 0 : i32
        %dma_start3A_78 = arith.constant 0 : i32
        %dma_start3A_79 = tpu.memref_slice %arg3[%add3A_72, %dma_start3A_77, %dma_start3A_78] : memref<66x2x4096xi32, #tpu.memory_space<hbm>> -> memref<1x2x4096xi32, #tpu.memory_space<hbm>>
        %dma_start3A_80 = tpu.memref_squeeze %dma_start3A_79 : memref<1x2x4096xi32, #tpu.memory_space<hbm>> -> memref<2x4096xi32, #tpu.memory_space<hbm>>
        tpu.enqueue_dma source(%dma_start3A_80 : memref<2x4096xi32, #tpu.memory_space<hbm>>) target(%arg12 : memref<2x4096xi32, #tpu.memory_space<vmem>>) target_semaphore(%arg14 : memref<!tpu.dma_semaphore, #tpu.memory_space<semaphore_mem>>)
      } else {
      }
      %dma_wait3A_58 = arith.constant 0 : i32
      %dma_wait3A_59 = arith.constant 0 : i32
      %dma_wait3A_60 = arith.constant 0 : i32
      %dma_wait3A_61 = tpu.memref_slice %arg3[%dma_wait3A_58, %dma_wait3A_59, %dma_wait3A_60] : memref<66x2x4096xi32, #tpu.memory_space<hbm>> -> memref<1x2x4096xi32, #tpu.memory_space<hbm>>
      %dma_wait3A_62 = tpu.memref_squeeze %dma_wait3A_61 : memref<1x2x4096xi32, #tpu.memory_space<hbm>> -> memref<2x4096xi32, #tpu.memory_space<hbm>>
      %dma_wait3A_63 = arith.constant 0 : i32
      %dma_wait3A_64 = arith.constant 0 : i32
      %dma_wait3A_65 = tpu.memref_slice %arg3[%dma_wait3A_58, %dma_wait3A_63, %dma_wait3A_64] : memref<66x2x4096xi32, #tpu.memory_space<hbm>> -> memref<1x2x4096xi32, #tpu.memory_space<hbm>>
      %dma_wait3A_66 = tpu.memref_squeeze %dma_wait3A_65 : memref<1x2x4096xi32, #tpu.memory_space<hbm>> -> memref<2x4096xi32, #tpu.memory_space<hbm>>
      tpu.wait_dma2 semaphore(%arg15 : memref<!tpu.dma_semaphore, #tpu.memory_space<semaphore_mem>>) src(%dma_wait3A_66 : memref<2x4096xi32, #tpu.memory_space<hbm>>) dst(%arg13 : memref<2x4096xi32, #tpu.memory_space<vmem>>)
      %parallel_loop3A_67 = arith.constant 0 : i32
      %parallel_loop3A_68 = arith.constant 4096 : i32
      %parallel_loop3A_69 = arith.constant 16 : i32
      scf.for %parallel_loop3A_71 = %parallel_loop3A_67 to %parallel_loop3A_68 step %parallel_loop3A_69  : i32 {
        %parallel_loop3A_72 = arith.constant 0 : i32
        %parallel_loop3A_73 = arith.index_cast %parallel_loop3A_72 : i32 to index
        %parallel_loop3A_74 = arith.index_cast %parallel_loop3A_71 : i32 to index
        %parallel_loop3A_75 = tpu.vector_load %arg13[%parallel_loop3A_73, %parallel_loop3A_74] {strides = array<i32>} : memref<2x4096xi32, #tpu.memory_space<vmem>>, vector<16xi32>,
        %parallel_loop3A_76 = arith.constant 1 : i32
        %parallel_loop3A_77 = arith.index_cast %parallel_loop3A_76 : i32 to index
        %parallel_loop3A_78 = arith.index_cast %parallel_loop3A_71 : i32 to index
        %parallel_loop3A_79 = tpu.vector_load %arg13[%parallel_loop3A_77, %parallel_loop3A_78] {strides = array<i32>} : memref<2x4096xi32, #tpu.memory_space<vmem>>, vector<16xi32>,
        %parallel_loop3A_80 = vector.bitcast %parallel_loop3A_79 : vector<16xi32> to vector<16xf32>
        %parallel_loop3A_81 = arith.constant 16383 : i32
        %parallel_loop3A_82 = vector.broadcast %parallel_loop3A_81 : i32 to vector<16xi32>
        %parallel_loop3A_83 = arith.andi %parallel_loop3A_75, %parallel_loop3A_82 : vector<16xi32>
        %parallel_loop3A_84 = arith.constant 14 : i32
        %parallel_loop3A_85 = vector.broadcast %parallel_loop3A_84 : i32 to vector<16xi32>
        %parallel_loop3A_86 = arith.shrui %parallel_loop3A_75, %parallel_loop3A_85 : vector<16xi32>
        %parallel_loop3A_87 = tpu.vector_load_idx %arg6[%parallel_loop3A_83] : memref<16384xi32, #tpu.memory_space<vmem>>[vector<16xi32>], vector<16xi32>,
        %parallel_loop3A_88 = arith.constant -65536 : i32
        %parallel_loop3A_89 = vector.broadcast %parallel_loop3A_88 : i32 to vector<16xi32>
        %parallel_loop3A_90 = arith.andi %parallel_loop3A_87, %parallel_loop3A_89 : vector<16xi32>
        %parallel_loop3A_91 = vector.bitcast %parallel_loop3A_90 : vector<16xi32> to vector<16xf32>
        %parallel_loop3A_92 = arith.constant 16 : i32
        %parallel_loop3A_93 = vector.broadcast %parallel_loop3A_92 : i32 to vector<16xi32>
        %parallel_loop3A_94 = arith.shli %parallel_loop3A_87, %parallel_loop3A_93 : vector<16xi32>
        %parallel_loop3A_95 = vector.bitcast %parallel_loop3A_94 : vector<16xi32> to vector<16xf32>
        %parallel_loop3A_96 = arith.mulf %parallel_loop3A_91, %parallel_loop3A_80 : vector<16xf32>
        %parallel_loop3A_97 = arith.mulf %parallel_loop3A_95, %parallel_loop3A_80 : vector<16xf32>
        %parallel_loop3A_98 = arith.addf %parallel_loop3A_96, %parallel_loop3A_97 : vector<16xf32>
        tpu.vector_store_idx %arg8[%parallel_loop3A_86], %parallel_loop3A_98 {add = true} : memref<16384xf32, #tpu.memory_space<vmem>>[vector<16xi32>], vector<16xf32>,
        %parallel_loop3A_99 = tpu.vector_load_idx %arg7[%parallel_loop3A_83] : memref<16384xi32, #tpu.memory_space<vmem>>[vector<16xi32>], vector<16xi32>,
        %parallel_loop3A_100 = arith.constant -65536 : i32
        %parallel_loop3A_101 = vector.broadcast %parallel_loop3A_100 : i32 to vector<16xi32>
        %parallel_loop3A_102 = arith.andi %parallel_loop3A_99, %parallel_loop3A_101 : vector<16xi32>
        %parallel_loop3A_103 = vector.bitcast %parallel_loop3A_102 : vector<16xi32> to vector<16xf32>
        %parallel_loop3A_104 = arith.constant 16 : i32
        %parallel_loop3A_105 = vector.broadcast %parallel_loop3A_104 : i32 to vector<16xi32>
        %parallel_loop3A_106 = arith.shli %parallel_loop3A_99, %parallel_loop3A_105 : vector<16xi32>
        %parallel_loop3A_107 = vector.bitcast %parallel_loop3A_106 : vector<16xi32> to vector<16xf32>
        %parallel_loop3A_108 = arith.mulf %parallel_loop3A_103, %parallel_loop3A_80 : vector<16xf32>
        %parallel_loop3A_109 = arith.mulf %parallel_loop3A_107, %parallel_loop3A_80 : vector<16xf32>
        %parallel_loop3A_110 = arith.addf %parallel_loop3A_108, %parallel_loop3A_109 : vector<16xf32>
        tpu.vector_store_idx %arg10[%parallel_loop3A_86], %parallel_loop3A_110 {add = true} : memref<16384xf32, #tpu.memory_space<vmem>>[vector<16xi32>], vector<16xf32>,
      } {sc.loop_unroll_factor = 8 : i64, sc.parallel_access}
      %scan3A_70 = arith.constant 0 : i32
      scf.yield %scan3A_70 : i32
    }
    %scan3A_24 = arith.constant 33 : i32
    %add3A_25 = arith.constant 0 : i32
    %add3A_26 = arith.addi %mul3A_2, %add3A_25 : i32
    "tpu.region"() ({
      %run_scoped3A = tpu.sem_alloc : memref<!tpu.dma_semaphore, #tpu.memory_space<semaphore_mem>>
      %dma_start3A_33 = arith.constant 0 : i32
      %dma_start3A_34 = tpu.memref_slice %arg5[%add3A_26, %dma_start3A_33] : memref<128x16384xf32, #tpu.memory_space<hbm>> -> memref<1x16384xf32, #tpu.memory_space<hbm>>
      %dma_start3A_35 = tpu.memref_squeeze %dma_start3A_34 : memref<1x16384xf32, #tpu.memory_space<hbm>> -> memref<16384xf32, #tpu.memory_space<hbm>>
      %dma_start3A_36 = arith.constant 0 : i32
      %dma_start3A_37 = tpu.memref_slice %arg5[%add3A_26, %dma_start3A_36] : memref<128x16384xf32, #tpu.memory_space<hbm>> -> memref<1x16384xf32, #tpu.memory_space<hbm>>
      %dma_start3A_38 = tpu.memref_squeeze %dma_start3A_37 : memref<1x16384xf32, #tpu.memory_space<hbm>> -> memref<16384xf32, #tpu.memory_space<hbm>>
      tpu.enqueue_dma source(%arg8 : memref<16384xf32, #tpu.memory_space<vmem>>) target(%dma_start3A_38 : memref<16384xf32, #tpu.memory_space<hbm>>) target_semaphore(%run_scoped3A : memref<!tpu.dma_semaphore, #tpu.memory_space<semaphore_mem>>)
      %dma_wait3A = arith.constant 0 : i32
      %dma_wait3A_39 = tpu.memref_slice %arg5[%add3A_26, %dma_wait3A] : memref<128x16384xf32, #tpu.memory_space<hbm>> -> memref<1x16384xf32, #tpu.memory_space<hbm>>
      %dma_wait3A_40 = tpu.memref_squeeze %dma_wait3A_39 : memref<1x16384xf32, #tpu.memory_space<hbm>> -> memref<16384xf32, #tpu.memory_space<hbm>>
      %dma_wait3A_41 = arith.constant 0 : i32
      %dma_wait3A_42 = tpu.memref_slice %arg5[%add3A_26, %dma_wait3A_41] : memref<128x16384xf32, #tpu.memory_space<hbm>> -> memref<1x16384xf32, #tpu.memory_space<hbm>>
      %dma_wait3A_43 = tpu.memref_squeeze %dma_wait3A_42 : memref<1x16384xf32, #tpu.memory_space<hbm>> -> memref<16384xf32, #tpu.memory_space<hbm>>
      tpu.wait_dma2 semaphore(%run_scoped3A : memref<!tpu.dma_semaphore, #tpu.memory_space<semaphore_mem>>) src(%arg8 : memref<16384xf32, #tpu.memory_space<vmem>>) dst(%dma_wait3A_43 : memref<16384xf32, #tpu.memory_space<hbm>>)
      tpu.yield
    }) : () -> ()
    %add3A_27 = arith.constant 1 : i32
    %add3A_28 = arith.addi %mul3A_2, %add3A_27 : i32
    "tpu.region"() ({
      %run_scoped3A = tpu.sem_alloc : memref<!tpu.dma_semaphore, #tpu.memory_space<semaphore_mem>>
      %dma_start3A_33 = arith.constant 0 : i32
      %dma_start3A_34 = tpu.memref_slice %arg5[%add3A_28, %dma_start3A_33] : memref<128x16384xf32, #tpu.memory_space<hbm>> -> memref<1x16384xf32, #tpu.memory_space<hbm>>
      %dma_start3A_35 = tpu.memref_squeeze %dma_start3A_34 : memref<1x16384xf32, #tpu.memory_space<hbm>> -> memref<16384xf32, #tpu.memory_space<hbm>>
      %dma_start3A_36 = arith.constant 0 : i32
      %dma_start3A_37 = tpu.memref_slice %arg5[%add3A_28, %dma_start3A_36] : memref<128x16384xf32, #tpu.memory_space<hbm>> -> memref<1x16384xf32, #tpu.memory_space<hbm>>
      %dma_start3A_38 = tpu.memref_squeeze %dma_start3A_37 : memref<1x16384xf32, #tpu.memory_space<hbm>> -> memref<16384xf32, #tpu.memory_space<hbm>>
      tpu.enqueue_dma source(%arg9 : memref<16384xf32, #tpu.memory_space<vmem>>) target(%dma_start3A_38 : memref<16384xf32, #tpu.memory_space<hbm>>) target_semaphore(%run_scoped3A : memref<!tpu.dma_semaphore, #tpu.memory_space<semaphore_mem>>)
      %dma_wait3A = arith.constant 0 : i32
      %dma_wait3A_39 = tpu.memref_slice %arg5[%add3A_28, %dma_wait3A] : memref<128x16384xf32, #tpu.memory_space<hbm>> -> memref<1x16384xf32, #tpu.memory_space<hbm>>
      %dma_wait3A_40 = tpu.memref_squeeze %dma_wait3A_39 : memref<1x16384xf32, #tpu.memory_space<hbm>> -> memref<16384xf32, #tpu.memory_space<hbm>>
      %dma_wait3A_41 = arith.constant 0 : i32
      %dma_wait3A_42 = tpu.memref_slice %arg5[%add3A_28, %dma_wait3A_41] : memref<128x16384xf32, #tpu.memory_space<hbm>> -> memref<1x16384xf32, #tpu.memory_space<hbm>>
      %dma_wait3A_43 = tpu.memref_squeeze %dma_wait3A_42 : memref<1x16384xf32, #tpu.memory_space<hbm>> -> memref<16384xf32, #tpu.memory_space<hbm>>
      tpu.wait_dma2 semaphore(%run_scoped3A : memref<!tpu.dma_semaphore, #tpu.memory_space<semaphore_mem>>) src(%arg9 : memref<16384xf32, #tpu.memory_space<vmem>>) dst(%dma_wait3A_43 : memref<16384xf32, #tpu.memory_space<hbm>>)
      tpu.yield
    }) : () -> ()
    %add3A_29 = arith.constant 2 : i32
    %add3A_30 = arith.addi %mul3A_2, %add3A_29 : i32
    "tpu.region"() ({
      %run_scoped3A = tpu.sem_alloc : memref<!tpu.dma_semaphore, #tpu.memory_space<semaphore_mem>>
      %dma_start3A_33 = arith.constant 0 : i32
      %dma_start3A_34 = tpu.memref_slice %arg5[%add3A_30, %dma_start3A_33] : memref<128x16384xf32, #tpu.memory_space<hbm>> -> memref<1x16384xf32, #tpu.memory_space<hbm>>
      %dma_start3A_35 = tpu.memref_squeeze %dma_start3A_34 : memref<1x16384xf32, #tpu.memory_space<hbm>> -> memref<16384xf32, #tpu.memory_space<hbm>>
      %dma_start3A_36 = arith.constant 0 : i32
      %dma_start3A_37 = tpu.memref_slice %arg5[%add3A_30, %dma_start3A_36] : memref<128x16384xf32, #tpu.memory_space<hbm>> -> memref<1x16384xf32, #tpu.memory_space<hbm>>
      %dma_start3A_38 = tpu.memref_squeeze %dma_start3A_37 : memref<1x16384xf32, #tpu.memory_space<hbm>> -> memref<16384xf32, #tpu.memory_space<hbm>>
      tpu.enqueue_dma source(%arg10 : memref<16384xf32, #tpu.memory_space<vmem>>) target(%dma_start3A_38 : memref<16384xf32, #tpu.memory_space<hbm>>) target_semaphore(%run_scoped3A : memref<!tpu.dma_semaphore, #tpu.memory_space<semaphore_mem>>)
      %dma_wait3A = arith.constant 0 : i32
      %dma_wait3A_39 = tpu.memref_slice %arg5[%add3A_30, %dma_wait3A] : memref<128x16384xf32, #tpu.memory_space<hbm>> -> memref<1x16384xf32, #tpu.memory_space<hbm>>
      %dma_wait3A_40 = tpu.memref_squeeze %dma_wait3A_39 : memref<1x16384xf32, #tpu.memory_space<hbm>> -> memref<16384xf32, #tpu.memory_space<hbm>>
      %dma_wait3A_41 = arith.constant 0 : i32
      %dma_wait3A_42 = tpu.memref_slice %arg5[%add3A_30, %dma_wait3A_41] : memref<128x16384xf32, #tpu.memory_space<hbm>> -> memref<1x16384xf32, #tpu.memory_space<hbm>>
      %dma_wait3A_43 = tpu.memref_squeeze %dma_wait3A_42 : memref<1x16384xf32, #tpu.memory_space<hbm>> -> memref<16384xf32, #tpu.memory_space<hbm>>
      tpu.wait_dma2 semaphore(%run_scoped3A : memref<!tpu.dma_semaphore, #tpu.memory_space<semaphore_mem>>) src(%arg10 : memref<16384xf32, #tpu.memory_space<vmem>>) dst(%dma_wait3A_43 : memref<16384xf32, #tpu.memory_space<hbm>>)
      tpu.yield
    }) : () -> ()
    %add3A_31 = arith.constant 3 : i32
    %add3A_32 = arith.addi %mul3A_2, %add3A_31 : i32
    "tpu.region"() ({
      %run_scoped3A = tpu.sem_alloc : memref<!tpu.dma_semaphore, #tpu.memory_space<semaphore_mem>>
      %dma_start3A_33 = arith.constant 0 : i32
      %dma_start3A_34 = tpu.memref_slice %arg5[%add3A_32, %dma_start3A_33] : memref<128x16384xf32, #tpu.memory_space<hbm>> -> memref<1x16384xf32, #tpu.memory_space<hbm>>
      %dma_start3A_35 = tpu.memref_squeeze %dma_start3A_34 : memref<1x16384xf32, #tpu.memory_space<hbm>> -> memref<16384xf32, #tpu.memory_space<hbm>>
      %dma_start3A_36 = arith.constant 0 : i32
      %dma_start3A_37 = tpu.memref_slice %arg5[%add3A_32, %dma_start3A_36] : memref<128x16384xf32, #tpu.memory_space<hbm>> -> memref<1x16384xf32, #tpu.memory_space<hbm>>
      %dma_start3A_38 = tpu.memref_squeeze %dma_start3A_37 : memref<1x16384xf32, #tpu.memory_space<hbm>> -> memref<16384xf32, #tpu.memory_space<hbm>>
      tpu.enqueue_dma source(%arg11 : memref<16384xf32, #tpu.memory_space<vmem>>) target(%dma_start3A_38 : memref<16384xf32, #tpu.memory_space<hbm>>) target_semaphore(%run_scoped3A : memref<!tpu.dma_semaphore, #tpu.memory_space<semaphore_mem>>)
      %dma_wait3A = arith.constant 0 : i32
      %dma_wait3A_39 = tpu.memref_slice %arg5[%add3A_32, %dma_wait3A] : memref<128x16384xf32, #tpu.memory_space<hbm>> -> memref<1x16384xf32, #tpu.memory_space<hbm>>
      %dma_wait3A_40 = tpu.memref_squeeze %dma_wait3A_39 : memref<1x16384xf32, #tpu.memory_space<hbm>> -> memref<16384xf32, #tpu.memory_space<hbm>>
      %dma_wait3A_41 = arith.constant 0 : i32
      %dma_wait3A_42 = tpu.memref_slice %arg5[%add3A_32, %dma_wait3A_41] : memref<128x16384xf32, #tpu.memory_space<hbm>> -> memref<1x16384xf32, #tpu.memory_space<hbm>>
      %dma_wait3A_43 = tpu.memref_squeeze %dma_wait3A_42 : memref<1x16384xf32, #tpu.memory_space<hbm>> -> memref<16384xf32, #tpu.memory_space<hbm>>
      tpu.wait_dma2 semaphore(%run_scoped3A : memref<!tpu.dma_semaphore, #tpu.memory_space<semaphore_mem>>) src(%arg11 : memref<16384xf32, #tpu.memory_space<vmem>>) dst(%dma_wait3A_43 : memref<16384xf32, #tpu.memory_space<hbm>>)
      tpu.yield
    }) : () -> ()
    return
  }
}

</mosaic_0001>

<sc_bundles>
// kernel: _sc_spmm.3.cloned.1.call-start
scs
__scs_entry_jumppad:
0x0: {  	(pc) =	sbr.rel $0x88, $3  }
0x1: {  	(tag) =	ssettag $0x0;
	lr =	simm.s32 $0x1  }
0x2: {  	[smem:$0x3F9E] =	sst lr;
	_ =	strace $0xD0000000  }
0x3: {  	_ = 	snop  }
0x4: {  	_ = 	snop  }
0x5: {  	_ = 	snop  }
0x6: {  	_ = 	snop  }
0x7: {  	_ = 	snop  }
__scs_overlays_trampoline_lowered:
0x8: {  	[smem:$0x3FAD] =	sst s0  }
0x9: {  	[smem:$0x3FAE] =	sst s1  }
0xa: {  	[smem:$0x3FAF] =	sst s2  }
0xb: {  	[smem:$0x3FB0] =	sst s3  }
0xc: {  	[smem:$0x3FB1] =	sst s4  }
0xd: {  	[smem:$0x3FB2] =	sst s5  }
0xe: {  	[smem:$0x3FB3] =	sst s6  }
0xf: {  	[smem:$0x3FB4] =	sst s7  }
0x10: {  	[smem:$0x3FB5] =	sst s8  }
0x11: {  	[smem:$0x3FB6] =	sst s9;
	s0 =	simm.s32 @!p0 $0x0  }
0x12: {  	s1 =	sld [smem:$0x3F9C];
	s0 =	simm.s32 @p0 $0x1  }
0x13: {  	[smem:$0x3FB7] =	sst s0;
	s0 =	simm.s32 @!p1 $0x0  }
0x14: {  	s2 =	sld [smem:$0x3F9B];
	s0 =	simm.s32 @p1 $0x1  }
0x15: {  	[smem:$0x3FB8] =	sst s0;
	s0 =	simm.s32 @!p2 $0x0  }
0x16: {  	s3 =	sld [smem:$0x3FDB];
	s0 =	simm.s32 @p2 $0x1  }
0x17: {  	s4 =	simm.s32 $0x1BF5;
	[smem:$0x3FBA] =	sst s0  }
0x18: {  	s0 =	sld [smem:$0x3F9D];
	_ =	swait.ge [sflag:s4], $0x0  }
0x19: {  	s7 =	sld [smem:$0x3F9E]  }
0x1a: {  	s8 =	sadd.s32 $0xFFFFE003, lr  }
0x1b: {  	s9 =	sadd.s32 $0xFFFFFEF7, lr;
	s5 =	simm.s32 $0xFFFFFFFF;
	p2 =	slt.u32 s8, $0xFFFFF086  }
0x1c: {  	p1 =	slt.u32 s9, $0xF7A;
	s5 =	simm.s32 @!p2 $0x0  }
0x1d: {  	s5 =	simm.s32 @p1 $0x1;
	p0 =	seq.s32 s7, s2  }
0x1e: {  	s7 =	smul.u32 @!p0 $0xF7A, s2;
	p2 =	seq.s32 @!p0 s5, $0x0  }
0x1f: {  	s9 =	smul.u32 $0xF7A, s1;
	s8 =	simm.s32 @!p0 $0x1BF5;
	p2 =	por !p2, p0  }
0x20: {  	[sflag:s8] =	ssyncset.s32 @!p0 $0xFFFFF086;
	s6 =	sadd.s32 @!p0 s3, s7;
	s7 =	simm.s32 @!p0 $0x108  }
0x21: {  	s3 =	sadd.s32 s3, s9;
	s6 =	sadd.s32 @!p0 $0x88, s6;
	s7 =	simm.s32 @p2 $0x1082  }
0x22: {  	[simem:s7], [sflag:s8] =	dma.local @!p0 [hbm:s6], $0xF7A  }
0x23: {  	s9 =	sor.u32 $0xD0000000, s2;
	s6 =	simm.s32 $0x108;
	_ =	swait.ge @!p0 [sflag:s8], $0x0  }
0x24: {  	s3 =	sadd.s32 $0x88, s3;
	s6 =	simm.s32 @!p1 $0x1082;
	[sflag:s4] =	ssyncset.s32 $0xFFFFF086  }
0x25: {  	[simem:s6], [sflag:s4] =	dma.local [hbm:s3], $0xF7A  }
0x26: {  	[smem:$0x3F9E] =	sst s1;
	(tag) =	ssettag s2;
	_ =	strace s9  }
0x27: {  	s1 =	sld [smem:$0x3FAE]  }
0x28: {  	s2 =	sld [smem:$0x3FAF]  }
0x29: {  	s4 =	sld [smem:$0x3FB1]  }
0x2a: {  	p0 =	seq.s32 s5, $0x0;
	s5 =	sld [smem:$0x3FB2]  }
0x2b: {  	s6 =	sld [smem:$0x3FB3]  }
0x2c: {  	s7 =	sld [smem:$0x3FB4]  }
0x2d: {  	s3 =	simm.s32 $0x108;
	s8 =	sld [smem:$0x3FB5]  }
0x2e: {  	s3 =	simm.s32 @!p0 $0x1082;
	s9 =	sld [smem:$0x3FB6]  }
0x2f: {  	lr =	sadd.s32 s0, s3;
	s0 =	sld [smem:$0x3FAD]  }
0x30: {  	s3 =	sld [smem:$0x3FB0]  }
0x31: {  	[smem:$0x3FB9] =	sst s10  }
0x32: {  	s10 =	sld [smem:$0x3FB7];
	_ =	sdelay $0x3  }
0x33: {  	p0 =	seq.s32 s10, $0x1;
	s10 =	sld [smem:$0x3FB9];
	_ =	sdelay $0x3  }
0x34: {  	[smem:$0x3FB9] =	sst s10  }
0x35: {  	s10 =	sld [smem:$0x3FB8];
	_ =	sdelay $0x3  }
0x36: {  	p1 =	seq.s32 s10, $0x1;
	s10 =	sld [smem:$0x3FB9];
	_ =	sdelay $0x3  }
0x37: {  	[smem:$0x3FB9] =	sst s10  }
0x38: {  	s10 =	sld [smem:$0x3FBA]  }
0x39: {  	_ = 	snop;
	(pc) =	sbr.ind lr, $3  }
0x3a: {  	_ = 	snop  }
0x3b: {  	_ = 	snop  }
0x3c: {  	p2 =	seq.s32 s10, $0x1;
	s10 =	sld [smem:$0x3FB9]  }
0x3d: {  	_ =	shalt  }
0x3e: {  	_ =	shalt  }
0x3f: {  	_ =	shalt  }
0x40: {  	_ =	shalt  }
0x41: {  	_ =	shalt  }
0x42: {  	_ =	shalt  }
0x43: {  	_ =	shalt  }
0x44: {  	_ =	shalt  }
0x45: {  	_ =	shalt  }
0x46: {  	_ =	shalt  }
0x47: {  	_ =	shalt  }
0x48: {  	_ =	shalt  }
0x49: {  	_ =	shalt  }
0x4a: {  	_ =	shalt  }
0x4b: {  	_ =	shalt  }
0x4c: {  	_ =	shalt  }
0x4d: {  	_ =	shalt  }
0x4e: {  	_ =	shalt  }
0x4f: {  	_ =	shalt  }
0x50: {  	_ =	shalt  }
0x51: {  	_ =	shalt  }
0x52: {  	_ =	shalt  }
0x53: {  	_ =	shalt  }
0x54: {  	_ =	shalt  }
0x55: {  	_ =	shalt  }
0x56: {  	_ =	shalt  }
0x57: {  	_ =	shalt  }
0x58: {  	_ =	shalt  }
0x59: {  	_ =	shalt  }
0x5a: {  	_ =	shalt  }
0x5b: {  	_ =	shalt  }
0x5c: {  	_ =	shalt  }
0x5d: {  	_ =	shalt  }
0x5e: {  	_ =	shalt  }
0x5f: {  	_ =	shalt  }
0x60: {  	_ =	shalt  }
0x61: {  	_ =	shalt  }
0x62: {  	_ =	shalt  }
0x63: {  	_ =	shalt  }
0x64: {  	_ =	shalt  }
0x65: {  	_ =	shalt  }
0x66: {  	_ =	shalt  }
0x67: {  	_ =	shalt  }
0x68: {  	_ =	shalt  }
0x69: {  	_ =	shalt  }
0x6a: {  	_ =	shalt  }
0x6b: {  	_ =	shalt  }
0x6c: {  	_ =	shalt  }
0x6d: {  	_ =	shalt  }
0x6e: {  	_ =	shalt  }
0x6f: {  	_ =	shalt  }
0x70: {  	_ =	shalt  }
0x71: {  	_ =	shalt  }
0x72: {  	_ =	shalt  }
0x73: {  	_ =	shalt  }
0x74: {  	_ =	shalt  }
0x75: {  	_ =	shalt  }
0x76: {  	_ =	shalt  }
0x77: {  	_ =	shalt  }
0x78: {  	_ =	shalt  }
0x79: {  	_ =	shalt  }
0x7a: {  	_ =	shalt  }
0x7b: {  	_ =	shalt  }
0x7c: {  	_ =	shalt  }
0x7d: {  	_ =	shalt  }
0x7e: {  	_ =	shalt  }
0x7f: {  	_ =	shalt  }
0x80: {  	_ =	shalt  }
0x81: {  	_ =	shalt  }
0x82: {  	_ =	shalt  }
0x83: {  	_ =	shalt  }
0x84: {  	_ =	shalt  }
0x85: {  	_ =	shalt  }
0x86: {  	_ =	shalt  }
0x87: {  	_ =	shalt  }
.Lfunc_end0:
.L_simem_size_0:
called_computation_lowered:
.L_overlay_start_0:
0x88: {  	s2 =	sld [smem:$0x3FD9]  }
0x89: {  	s3 =	sld [smem:$0x3FFE];
	_ =	sdelay $0x1  }
0x8a: {  	s1 =	srdreg.scid  }
0x8b: {  	s0 =	sand.u32 $0x1, s1  }
0x8c: {  	s18 =	sshll.u32 s0, $0xA;
	s2 =	sadd.s32 s3, s2  }
0x8d: {  	s2 =	sadd.s32 s2, s18  }
0x8e: {  	[smem:$0x3FC5] =	sst s2  }
0x8f: {  	_ = 	snop  }
0x90: {  	s2 =	sld [smem:$0x3FC9]  }
0x91: {  	s19 =	sld [smem:$0x3FC8]  }
0x92: {  	s4 =	sld [smem:$0x3FC7]  }
0x93: {  	s5 =	sld [smem:$0x3FD0];
	(tm) =	ssettm $0x1  }
0x94: {  	s6 =	sld [smem:$0x3FFB];
	_ =	sdelay $0x3  }
0x95: {  	_ =	strace s6  }
0x96: {  	s6 =	sld [smem:$0x3FFC];
	_ =	sdelay $0x3  }
0x97: {  	_ =	strace s6  }
0x98: {  	s6 =	sld [smem:$0x3FFD];
	_ =	sdelay $0x3  }
0x99: {  	_ =	strace s6  }
0x9a: {  	_ =	strace $0x8FFFFFFF  }
0x9b: {  	s20 =	sld [smem:$0x3FDB];
	_ =	sdelay $0x1  }
0x9c: {  	s7 =	simm.s32 $_scs_section_size  }
0x9d: {  	s8 =	simm.s32 $_size__tile_overlayer_lowered;
	s9 =	simm.s32 $_tile_overlayer_lowered  }
0x9e: {  	s23 =	simm.s32 $0x1BFF;
	s22 =	sshll.u32 s9, $0x1;
	s6 =	sadd.s32 s7, s20  }
0x9f: {  	s10 =	simm.s32 $0x0;
	s21 =	sshll.u32 s8, $0x1;
	s8 =	sadd.s32 s22, s6  }
0xa0: {  	[timem:s10], [sflag:s23] =	dma.local [hbm:s8], s21  }
0xa1: {  	_ =	swait.ge [sflag:s23], s21  }
0xa2: {  	s7 =	ssub.s32 $0x0, s21;
	[sflag:s23] =	ssyncset.done $0x0  }
0xa3: {  	[sflag:s23] =	ssyncadd.s32 s7;
	_ =	sdelay $0x1  }
0xa4: {  	s24 =	simm.s32 $0x1B8B  }
0xa5: {  	_ =	swait.ge [sflag:s24], $0x1  }
0xa6: {  	[sflag:s24] =	ssyncset.done $0x0  }
0xa7: {  	s25 =	simm.s32 $0x1B8E;
	[sflag:s24] =	ssyncadd.s32 $0xFFFFFFFF  }
0xa8: {  	s26 =	simm.s32 $execute0_lowered;
	[smem:$0x3FD2] =	sst s25  }
0xa9: {  	s7 =	sshll.u32 s26, $0x1;
	_ =	strace $0x80000046;
	[dreg:$0x1] =	wrdreg $0xFFFFFFFF  }
0xaa: {  	s28 =	simm.s32 $_size_execute0_lowered;
	s6 =	sadd.s32 s6, s7;
	[dreg:$0x0] =	wrdreg $0x0  }
0xab: {  	s7 =	sshll.u32 s28, $0x1;
	[dreg:$0x2] =	wrdreg s6  }
0xac: {  	[dreg:$0x3] =	wrdreg s7  }
0xad: {  	[dreg:$0x4] =	wrdreg $0xC0  }
0xae: {  	_ =	task [dreg:s10], $0x5FFFF  }
0xaf: {  	[dreg:$0x1] =	wrdreg $0xFFFFFFFF  }
0xb0: {  	[dreg:$0x0] =	wrdreg $0x60  }
0xb1: {  	[dreg:$0x2] =	wrdreg s2  }
0xb2: {  	[dreg:$0x3] =	wrdreg s19  }
0xb3: {  	[dreg:$0x4] =	wrdreg s4  }
0xb4: {  	[dreg:$0x5] =	wrdreg s5  }
0xb5: {  	[dreg:$0x6] =	wrdreg $0x9  }
0xb6: {  	_ =	task.clear_ibuf [dreg:s10], $0x7FFFF;
	_ =	strace $0x90000046  }
0xb7: {  	s29 =	simm.s32 $0x9;
	_ =	strace $0x80000048  }
0xb8: {  	_ =	swait.ge [sflag:s29], $0x1  }
0xb9: {  	[sflag:s29] =	ssyncadd.s32 $0xFFFFFFFF  }
0xba: {  	_ =	strace $0x90000048  }
0xbb: {  	_ =	sfence  }
0xbc: {  	s30 =	sld [smem:$0x0];
	_ =	sdelay $0x2  }
0xbd: {  	s31 =	sshll.u32 s1, $0xD;
	s1 =	sshrl.u32 s1, $0x2  }
0xbe: {  	s3 =	sand.u32 $0x4000, s31;
	s1 =	sadd.s32 s1, s30  }
0xbf: {  	s0 =	sor.u32 s3, s0;
	s1 =	sshll.u32 s1, $0x11  }
0xc0: {  	s0 =	sor.u32 s1, s0  }
0xc1: {  	s0 =	sadd.s32 $0x8F2B, s0  }
0xc2: {  	[sflag:s0] =	ssyncadd.remote.s32 $0x1  }
0xc3: {  	_ =	sfence.sel $0xFFFF  }
0xc4: {  	[dreg:$0x0] =	wrdreg $0xFFFFFFFF;
	(pc) =	sbr.abs _section_cstart, $3  }
0xc5: {  	[dreg:$0x1] =	wrdreg $0xFFFFFFFF  }
0xc6: {  	_ =	task.clear_ibuf [dreg:s10], $0x2FFFF;
	_ =	strace $0x9FFFFFFF  }
0xc7: {  	(tm) =	ssettm $0x7FFFFFFF  }
tec
execute0_lowered:
.L_overlay_start_1:
0x0: {  	(tag) =	ssettag $0x1  }
0x1: {  	s5 =	rddreg [dreg:$0x0]  }
0x2: {  	s1 =	rddreg [dreg:$0x1]  }
0x3: {  	s2 =	rddreg [dreg:$0x2]  }
0x4: {  	s8 =	rddreg [dreg:$0x3]  }
0x5: {  	s0 =	rddreg [dreg:$0x4];
	s4 =	simm.s32 $0x0;
	s6 =	srdreg.scid  }
0x6: {  	s3 =	stileid.u32;
	s14 =	simm.s32 $0x80;
	s15 =	simm.s32 $0x400  }
0x7: {  	s16 =	simm.s32 $0x3;
	s17 =	simm.s32 $0x4000;
	s18 =	simm.s32 $0x8000  }
0x8: {  	s19 =	simm.s32 $0xC000;
	s20 =	simm.s32 $0x10000;
	s21 =	simm.s32 $0x14000  }
0x9: {  	s22 =	simm.s32 $0x18000;
	s23 =	simm.s32 $0x1A000;
	s24 =	simm.s32 $0x1  }
0xa: {  	s25 =	simm.s32 $0x2;
	s26 =	simm.s32 $0x0;
	[smem:$0x7FF] =	sst s4  }
0xb: {  	s6 =	sand.u32 $0x1, s6;
	s9 =	sshll.u32 s3, $0x6;
	s10 =	sshll.u32 s3, $0xD  }
0xc: {  	s30 =	sshll.u32 s3, $0xE;
	_ =	strace $0x80000047;
	s7 =	ssub.s32 $0x2, s6  }
0xd: {  	s11 =	sshll.u32 s6, $0x5;
	s9 =	sand.u32 $0x40, s9;
	s10 =	sand.u32 $0x1C000, s10  }
0xe: {  	s6 =	sshll.u32 s6, $0x6;
	s12 =	sshrl.u32 s7, $0x1;
	s9 =	sor.u32 s11, s9  }
0xf: {  	s31 =	sor.u32 s6, s30;
	s9 =	sor.u32 s10, s9;
	s13 =	ssub.s32 s7, s12  }
0x10: {  	s7 =	sadd.s32 $0x400, s1;
	s8 =	sadd.s32 s8, s31;
	s5 =	sadd.s32 s5, s9  }
0x11: {  	s9 =	sadd.s32 $0x800, s1;
	s10 =	sadd.s32 $0x10, s8;
	s11 =	sadd.s32 $0x20, s8  }
0x12: {  	s12 =	sadd.s32 $0x30, s8;
	s13 =	smax.u32 s13, $0x1;
	s6 =	sadd.s32 $0x10, s5  }
.LBB2_1:
0x13: {  	[tilespmem:s4], [sflag:$0x3] =	stream.strided.gather [hbm4b:s5+s14], $0x4000, s15, s14, $0x38;
	[tilespmem:$0x1C000] =	vst v63  }
0x14: {  	_ =	swait.ge [sflag:s16], $0x4000  }
0x15: {  	[sflag:s16] =	ssyncset.done $0x0  }
0x16: {  	[sflag:s16] =	ssyncadd.s32 $0xFFFFC000  }
0x17: {  	[tilespmem:s17], [sflag:$0x3] =	stream.strided.gather [hbm4b:s6+s14], $0x4000, s15, s14, $0x38;
	[tilespmem:$0x1C000] =	vst v63  }
0x18: {  	_ =	swait.ge [sflag:s16], $0x4000  }
0x19: {  	[sflag:s16] =	ssyncset.done $0x0  }
0x1a: {  	[sflag:s16] =	ssyncadd.s32 $0xFFFFC000  }
0x1b: {  	[tilespmem:s18], [sflag:$0x3] =	stream.linear.gather [hbm4b:s2+s4], $0x4000, $0x38;
	[tilespmem:$0x1C000] =	vst v63  }
0x1c: {  	_ =	swait.ge [sflag:s16], $0x4000  }
0x1d: {  	[sflag:s16] =	ssyncset.done $0x0  }
0x1e: {  	[sflag:s16] =	ssyncadd.s32 $0xFFFFC000  }
0x1f: {  	[tilespmem:s19], [sflag:$0x3] =	stream.linear.gather [hbm4b:s2+s4], $0x4000, $0x38;
	[tilespmem:$0x1C000] =	vst v63  }
0x20: {  	_ =	swait.ge [sflag:s16], $0x4000  }
0x21: {  	[sflag:s16] =	ssyncset.done $0x0  }
0x22: {  	[sflag:s16] =	ssyncadd.s32 $0xFFFFC000  }
0x23: {  	[tilespmem:s20], [sflag:$0x3] =	stream.linear.gather [hbm4b:s2+s4], $0x4000, $0x38;
	[tilespmem:$0x1C000] =	vst v63  }
0x24: {  	_ =	swait.ge [sflag:s16], $0x4000  }
0x25: {  	[sflag:s16] =	ssyncset.done $0x0  }
0x26: {  	[sflag:s16] =	ssyncadd.s32 $0xFFFFC000  }
0x27: {  	[tilespmem:s21], [sflag:$0x3] =	stream.linear.gather [hbm4b:s2+s4], $0x4000, $0x38;
	[tilespmem:$0x1C000] =	vst v63  }
0x28: {  	_ =	swait.ge [sflag:s16], $0x4000  }
0x29: {  	[sflag:s16] =	ssyncset.done $0x0  }
0x2a: {  	s28 =	simm.s32 $0x0;
	[sflag:s16] =	ssyncadd.s32 $0xFFFFC000  }
0x2b: {  	[tilespmem:s22], [sflag:$0x1] =	stream.linear.gather [hbm4b:s1+s4], $0x2000, $0x38;
	[tilespmem:$0x1C000] =	vst v63  }
.LBB2_2:
0x2c: {  	s29 =	sshll.u32 s28, $0xB  }
0x2d: {  	s30 =	sadd.s32 s29, s7  }
0x2e: {  	[tilespmem:s23], [sflag:$0x2] =	stream.linear.gather [hbm4b:s30+s4], $0x2000, $0x38;
	[tilespmem:$0x1C000] =	vst v63  }
0x2f: {  	_ =	swait.ge [sflag:s24], $0x2000  }
0x30: {  	[sflag:s24] =	ssyncset.done $0x0  }
0x31: {  	s30 =	simm.s32 $0x18080;
	[sflag:s24] =	ssyncadd.s32 $0xFFFFE000  }
0x32: {  	v3 =	vld [tilespmem:s30+$0x10]  }
0x33: {  	v4 =	vld [tilespmem:s30+$0xFFFFFF90]  }
0x34: {  	v0 =	vld [tilespmem:s30+$0x70]  }
0x35: {  	v15 =	vld [tilespmem:s30+$0xFFFFFFE0]  }
0x36: {  	v24 =	vld [tilespmem:s30+$0xFFFFFF80]  }
0x37: {  	v8 =	vld [tilespmem:s30+$0xFFFFFFC0]  }
0x38: {  	v1 =	vld [tilespmem:s30+$0x30]  }
0x39: {  	v6 =	vld [tilespmem:s30+$0x0];
	v32 =	vand.u32 $0x3FFF, v4  }
0x3a: {  	v18 =	vld [tilespmem:s30+$0xFFFFFFB0];
	v13 =	vand.u32 $0x3FFF, v15  }
0x3b: {  	v14 =	vld [tilespmem:s30+$0xFFFFFFD0];
	v21 =	vand.u32 $0x3FFF, v24  }
0x3c: {  	v9 =	vld [tilespmem:s30+$0xFFFFFFF0];
	v26 =	vand.u32 $0x3FFF, v8  }
0x3d: {  	v16 =	vld [tilespmem:s30+$0xFFFFFFA0]  }
0x3e: {  	v11 =	vld.idx.msk [tilespmem:v32+s4+$0x0], $0xffff  }
0x3f: {  	v17 =	vand.u32 $0x3FFF, v18;
	v27 =	vld.idx.msk [tilespmem:v13+s4+$0x0], $0xffff  }
0x40: {  	v23 =	vld.idx.msk [tilespmem:v21+s4+$0x0], $0xffff  }
0x41: {  	v5 =	vand.u32 $0x3FFF, v9;
	v22 =	vld.idx.msk [tilespmem:v26+s4+$0x0], $0xffff  }
0x42: {  	v12 =	vld [tilespmem:s30+$0x40];
	v20 =	vand.u32 $0x3FFF, v14  }
0x43: {  	v2 =	vld [tilespmem:s30+$0x60];
	v7 =	vshrl.u32 v4, $0xE;
	v19 =	vand.u32 $0x3FFF, v16;
	v4 =	vshll.u32 v11, $0x10  }
0x44: {  	v29 =	vld.idx.msk [tilespmem:v17+s4+$0x0], $0xffff;
	v25 =	vand.u32 $0xFFFF0000, v11;
	v11 =	vshrl.u32 v8, $0xE;
	v31 =	vand.u32 $0xFFFF0000, v27  }
0x45: {  	v10 =	vld [tilespmem:s30+$0x20];
	v34 =	vshll.u32 v23, $0x10;
	v28 =	vmul.f32 v4, v3;
	v8 =	vmul.f32 v25, v3  }
0x46: {  	v33 =	vld.idx.msk [tilespmem:v5+s4+$0x0], $0xffff;
	v25 =	vand.u32 $0xFFFF0000, v22;
	v22 =	vshll.u32 v22, $0x10;
	v4 =	vshrl.u32 v18, $0xE  }
0x47: {  	v18 =	vmul.f32 v25, v12;
	v30 =	vmul.f32 v22, v12;
	v25 =	vand.u32 $0xFFFF0000, v23;
	v22 =	vld.idx.msk [tilespmem:v20+s4+$0x0], $0xffff  }
0x48: {  	v27 =	vshll.u32 v27, $0x10;
	v28 =	vadd.f32 v28, v8;
	v23 =	vmul.f32 v25, v6;
	v25 =	vld.idx.msk [tilespmem:v19+s4+$0x0], $0xffff  }
0x49: {  	v36 =	vmul.f32 v31, v2;
	v31 =	vand.u32 $0xFFFF0000, v29;
	v35 =	vadd.f32 v30, v18;
	v18 =	vld [tilespmem:s30+$0x50]  }
0x4a: {  	v63 =	vshll.u32 v29, $0x10;
	v27 =	vmul.f32 v27, v2;
	v31 =	vmul.f32 v31, v1;
	[tilespmem:v7+s18+$0x0] =	vst.idx.add.f32.msk $0xffff, v28  }
0x4b: {  	v8 =	vshrl.u32 v15, $0xE;
	v15 =	vshrl.u32 v24, $0xE;
	v24 =	vand.u32 $0xFFFF0000, v33;
	[tilespmem:v11+s18+$0x0] =	vst.idx.add.f32.msk $0xffff, v35  }
0x4c: {  	v30 =	vmul.f32 v34, v6;
	v28 =	vshll.u32 v33, $0x10;
	v33 =	vmul.f32 v63, v1;
	v29 =	vld.idx.msk [tilespmem:v26+s17+$0x0], $0xffff  }
0x4d: {  	s31 =	simm.s32 $0x18180;
	s30 =	simm.s32 $0x0;
	v26 =	vadd.f32 v27, v36;
	v27 =	vmul.f32 v24, v0;
	v24 =	vld.idx.msk [tilespmem:v32+s17+$0x0], $0xffff;
	v32 =	vand.u32 $0xFFFF0000, v22  }
.LBB2_3:
0x4e: {  	v34 =	vld [tilespmem:s31+$0x10];
	s30 =	sadd.s32 $0x80, s30;
	v23 =	vadd.f32 v30, v23;
	v30 =	vshll.u32 v22, $0x10  }
0x4f: {  	v35 =	vld [tilespmem:s31+$0xFFFFFF90];
	p0 =	slt.u32 s30, $0xF80;
	v31 =	vadd.f32 v33, v31  }
0x50: {  	[tilespmem:v15+s18+$0x0] =	vst.idx.add.f32.msk $0xffff, v23  }
0x51: {  	v22 =	vshrl.u32 v14, $0xE;
	v14 =	vmul.f32 v32, v18;
	v30 =	vmul.f32 v30, v18;
	v23 =	vld [tilespmem:s31+$0x70]  }
0x52: {  	v28 =	vmul.f32 v28, v0;
	v33 =	vand.u32 $0xFFFF0000, v29;
	v29 =	vshll.u32 v29, $0x10;
	v32 =	vld [tilespmem:s31+$0x30]  }
0x53: {  	v14 =	vadd.f32 v30, v14;
	v33 =	vmul.f32 v33, v12;
	v12 =	vmul.f32 v29, v12;
	v21 =	vld.idx.msk [tilespmem:v21+s17+$0x0], $0xffff  }
0x54: {  	v27 =	vadd.f32 v28, v27;
	v29 =	vand.u32 $0xFFFF0000, v25;
	v25 =	vshll.u32 v25, $0x10;
	[tilespmem:v4+s18+$0x0] =	vst.idx.add.f32.msk $0xffff, v31  }
0x55: {  	v28 =	vshrl.u32 v16, $0xE;
	v16 =	vmul.f32 v29, v10;
	v29 =	vadd.f32 v12, v33;
	[tilespmem:v8+s18+$0x0] =	vst.idx.add.f32.msk $0xffff, v26  }
0x56: {  	v12 =	vmul.f32 v25, v10;
	[tilespmem:v22+s18+$0x0] =	vst.idx.add.f32.msk $0xffff, v14  }
0x57: {  	v25 =	vld [tilespmem:s31+$0x0]  }
0x58: {  	v12 =	vadd.f32 v12, v16;
	v20 =	vld.idx.msk [tilespmem:v20+s17+$0x0], $0xffff  }
0x59: {  	v14 =	vand.u32 $0xFFFF0000, v21;
	v16 =	vshll.u32 v21, $0x10;
	v13 =	vld.idx.msk [tilespmem:v13+s17+$0x0], $0xffff  }
0x5a: {  	v21 =	vmul.f32 v14, v6;
	v26 =	vmul.f32 v16, v6;
	[tilespmem:v28+s18+$0x0] =	vst.idx.add.f32.msk $0xffff, v12  }
0x5b: {  	v30 =	vshrl.u32 v9, $0xE;
	v16 =	vld.idx.msk [tilespmem:v17+s17+$0x0], $0xffff  }
0x5c: {  	v14 =	vld [tilespmem:s31+$0xFFFFFFD0];
	v6 =	vmov v25  }
0x5d: {  	v17 =	vld.idx.msk [tilespmem:v19+s17+$0x0], $0xffff  }
0x5e: {  	v9 =	vld [tilespmem:s31+$0xFFFFFFF0]  }
0x5f: {  	v19 =	vand.u32 $0xFFFF0000, v24;
	v12 =	vld [tilespmem:s31+$0x40]  }
0x60: {  	v24 =	vshll.u32 v24, $0x10;
	v19 =	vmul.f32 v19, v3;
	v25 =	vand.u32 $0xFFFF0000, v13;
	[tilespmem:v30+s18+$0x0] =	vst.idx.add.f32.msk $0xffff, v27  }
0x61: {  	v24 =	vmul.f32 v24, v3;
	v3 =	vmovc v34;
	v31 =	vand.u32 $0xFFFF0000, v16;
	v33 =	vshll.u32 v16, $0x10;
	v27 =	vld [tilespmem:s31+$0xFFFFFFE0]  }
0x62: {  	v34 =	vand.u32 $0x3FFF, v35;
	v16 =	vand.u32 $0xFFFF0000, v20;
	v36 =	vld [tilespmem:s31+$0x60]  }
0x63: {  	v39 =	vmul.f32 v16, v18;
	v38 =	vand.u32 $0xFFFF0000, v17;
	v17 =	vshll.u32 v17, $0x10;
	v37 =	vld [tilespmem:s31+$0xFFFFFFC0]  }
0x64: {  	v19 =	vadd.f32 v24, v19;
	v20 =	vshll.u32 v20, $0x10;
	v24 =	vmul.f32 v38, v10;
	v16 =	vld [tilespmem:s31+$0xFFFFFFA0]  }
0x65: {  	v31 =	vmul.f32 v31, v1;
	v18 =	vmul.f32 v20, v18;
	v20 =	vshll.u32 v13, $0x10;
	v38 =	vld [tilespmem:s31+$0xFFFFFFB0]  }
0x66: {  	v13 =	vmul.f32 v33, v1;
	v1 =	vmov v32;
	v10 =	vmul.f32 v17, v10;
	v40 =	vld [tilespmem:s31+$0xFFFFFF80]  }
0x67: {  	[tilespmem:v11+s20+$0x0] =	vst.idx.add.f32.msk $0xffff, v29;
	v11 =	vadd.f32 v18, v39  }
0x68: {  	v17 =	vand.u32 $0x3FFF, v9;
	v10 =	vadd.f32 v10, v24;
	v18 =	vadd.f32 v13, v31;
	[tilespmem:v7+s20+$0x0] =	vst.idx.add.f32.msk $0xffff, v19  }
0x69: {  	v13 =	vand.u32 $0x3FFF, v27;
	v19 =	vadd.f32 v26, v21;
	v24 =	vld.idx.msk [tilespmem:v5+s17+$0x0], $0xffff;
	v5 =	vmov v17  }
0x6a: {  	v29 =	vand.u32 $0x3FFF, v37;
	v26 =	vld.idx.msk [tilespmem:v34+s4+$0x0], $0xffff  }
0x6b: {  	v7 =	vshrl.u32 v35, $0xE;
	v21 =	vand.u32 $0x3FFF, v40;
	[tilespmem:v15+s20+$0x0] =	vst.idx.add.f32.msk $0xffff, v19  }
0x6c: {  	[tilespmem:v28+s20+$0x0] =	vst.idx.add.f32.msk $0xffff, v10  }
0x6d: {  	v17 =	vand.u32 $0x3FFF, v38;
	v10 =	vld [tilespmem:s31+$0x20]  }
0x6e: {  	v19 =	vmul.f32 v25, v2;
	v25 =	vmul.f32 v20, v2;
	v2 =	vmov v36;
	v15 =	vld.idx.msk [tilespmem:v13+s4+$0x0], $0xffff  }
0x6f: {  	v20 =	vand.u32 $0x3FFF, v14;
	v31 =	vand.u32 $0xFFFF0000, v24;
	v24 =	vshll.u32 v24, $0x10;
	v28 =	vld.idx.msk [tilespmem:v29+s4+$0x0], $0xffff  }
0x70: {  	v33 =	vand.u32 $0xFFFF0000, v26;
	v26 =	vshll.u32 v26, $0x10;
	v24 =	vmul.f32 v24, v0;
	v32 =	vld.idx.msk [tilespmem:v21+s4+$0x0], $0xffff  }
0x71: {  	v31 =	vmul.f32 v31, v0;
	v0 =	vmov v23;
	v26 =	vmul.f32 v26, v3;
	v35 =	vld.idx.msk [tilespmem:v5+s4+$0x0], $0xffff  }
0x72: {  	v23 =	vshrl.u32 v38, $0xE;
	[tilespmem:v22+s20+$0x0] =	vst.idx.add.f32.msk $0xffff, v11;
	v22 =	vadd.f32 v25, v19  }
0x73: {  	v24 =	vadd.f32 v24, v31;
	v19 =	vand.u32 $0x3FFF, v16;
	v11 =	vshrl.u32 v37, $0xE;
	v36 =	vld.idx.msk [tilespmem:v17+s4+$0x0], $0xffff  }
0x74: {  	v25 =	vmul.f32 v33, v3;
	[tilespmem:v4+s20+$0x0] =	vst.idx.add.f32.msk $0xffff, v18;
	v4 =	vmov v23  }
0x75: {  	v18 =	vand.u32 $0xFFFF0000, v28;
	v23 =	vshll.u32 v28, $0x10;
	[tilespmem:v30+s20+$0x0] =	vst.idx.add.f32.msk $0xffff, v24  }
0x76: {  	v28 =	vand.u32 $0xFFFF0000, v15;
	v18 =	vmul.f32 v18, v12;
	v24 =	vmul.f32 v23, v12;
	[tilespmem:v8+s20+$0x0] =	vst.idx.add.f32.msk $0xffff, v22  }
0x77: {  	v26 =	vadd.f32 v26, v25;
	v30 =	vshll.u32 v32, $0x10;
	v8 =	vand.u32 $0xFFFF0000, v32;
	v22 =	vld.idx.msk [tilespmem:v20+s4+$0x0], $0xffff  }
0x78: {  	v32 =	vmul.f32 v28, v2;
	v23 =	vmul.f32 v8, v6;
	v24 =	vadd.f32 v24, v18;
	v25 =	vld.idx.msk [tilespmem:v19+s4+$0x0], $0xffff  }
.Ltmp0:
0x79: {  	v30 =	vmul.f32 v30, v6;
	v8 =	vshrl.u32 v27, $0xE;
	v27 =	vshll.u32 v15, $0x10;
	v18 =	vld [tilespmem:s31+$0x50];
	(pc) =	sbr.rel @p0 .LBB2_3-.Ltmp0, $4  }
0x7a: {  	v15 =	vshrl.u32 v40, $0xE;
	v28 =	vand.u32 $0xFFFF0000, v36;
	[tilespmem:v11+s18+$0x0] =	vst.idx.add.f32.msk $0xffff, v24;
	v24 =	vmul.f32 v27, v2  }
0x7b: {  	v31 =	vmul.f32 v28, v1;
	v28 =	vshll.u32 v35, $0x10;
	v27 =	vand.u32 $0xFFFF0000, v35;
	[tilespmem:v7+s18+$0x0] =	vst.idx.add.f32.msk $0xffff, v26  }
0x7c: {  	v33 =	vshll.u32 v36, $0x10;
	v27 =	vmul.f32 v27, v0;
	v29 =	vld.idx.msk [tilespmem:v29+s17+$0x0], $0xffff;
	v26 =	vadd.f32 v24, v32  }
0x7d: {  	v33 =	vmul.f32 v33, v1;
	s31 =	sadd.s32 $0x100, s31;
	v32 =	vand.u32 $0xFFFF0000, v22;
	v24 =	vld.idx.msk [tilespmem:v34+s17+$0x0], $0xffff  }
0x7e: {  	_ =	sdelay $0x1  }
0x7f: {  	v23 =	vadd.f32 v30, v23;
	v22 =	vshll.u32 v22, $0x10;
	v14 =	vshrl.u32 v14, $0xE  }
0x80: {  	v30 =	vadd.f32 v33, v31;
	v31 =	vmul.f32 v32, v18;
	v22 =	vmul.f32 v22, v18  }
0x81: {  	v16 =	vshrl.u32 v16, $0xE;
	[tilespmem:v15+s18+$0x0] =	vst.idx.add.f32.msk $0xffff, v23  }
0x82: {  	v23 =	vand.u32 $0xFFFF0000, v25;
	v25 =	vshll.u32 v25, $0x10;
	v21 =	vld.idx.msk [tilespmem:v21+s17+$0x0], $0xffff;
	v22 =	vadd.f32 v22, v31  }
0x83: {  	v23 =	vmul.f32 v23, v10;
	v25 =	vmul.f32 v25, v10;
	[tilespmem:v4+s18+$0x0] =	vst.idx.add.f32.msk $0xffff, v30  }
0x84: {  	v17 =	vld.idx.msk [tilespmem:v17+s17+$0x0], $0xffff  }
0x85: {  	v28 =	vmul.f32 v28, v0;
	[tilespmem:v14+s18+$0x0] =	vst.idx.add.f32.msk $0xffff, v22;
	v22 =	vadd.f32 v25, v23  }
0x86: {  	v9 =	vshrl.u32 v9, $0xE;
	v23 =	vand.u32 $0xFFFF0000, v29;
	v25 =	vshll.u32 v29, $0x10;
	v20 =	vld.idx.msk [tilespmem:v20+s17+$0x0], $0xffff  }
0x87: {  	[tilespmem:v16+s18+$0x0] =	vst.idx.add.f32.msk $0xffff, v22;
	v22 =	vmul.f32 v23, v12;
	v12 =	vmul.f32 v25, v12  }
0x88: {  	[tilespmem:v8+s18+$0x0] =	vst.idx.add.f32.msk $0xffff, v26  }
0x89: {  	v23 =	vadd.f32 v28, v27;
	v19 =	vld.idx.msk [tilespmem:v19+s17+$0x0], $0xffff;
	v12 =	vadd.f32 v12, v22;
	v22 =	vand.u32 $0xFFFF0000, v21  }
0x8a: {  	v13 =	vld.idx.msk [tilespmem:v13+s17+$0x0], $0xffff;
	v25 =	vand.u32 $0xFFFF0000, v24;
	v21 =	vshll.u32 v21, $0x10;
	v22 =	vmul.f32 v22, v6  }
0x8b: {  	[tilespmem:v9+s18+$0x0] =	vst.idx.add.f32.msk $0xffff, v23;
	v6 =	vmul.f32 v21, v6;
	v21 =	vshll.u32 v24, $0x10;
	v24 =	vmul.f32 v25, v3  }
0x8c: {  	v5 =	vld.idx.msk [tilespmem:v5+s17+$0x0], $0xffff;
	v3 =	vmul.f32 v21, v3;
	v21 =	vand.u32 $0xFFFF0000, v17;
	v23 =	vand.u32 $0xFFFF0000, v20  }
0x8d: {  	v17 =	vshll.u32 v17, $0x10;
	v20 =	vshll.u32 v20, $0x10;
	v23 =	vmul.f32 v23, v18  }
0x8e: {  	[tilespmem:v11+s20+$0x0] =	vst.idx.add.f32.msk $0xffff, v12;
	v18 =	vmul.f32 v20, v18;
	v25 =	vand.u32 $0xFFFF0000, v19;
	v19 =	vshll.u32 v19, $0x10  }
0x8f: {  	v3 =	vadd.f32 v3, v24;
	v20 =	vmul.f32 v25, v10;
	v10 =	vmul.f32 v19, v10  }
0x90: {  	v6 =	vadd.f32 v6, v22;
	v19 =	vmul.f32 v21, v1;
	v1 =	vmul.f32 v17, v1  }
0x91: {  	v17 =	vadd.f32 v18, v23;
	v18 =	vand.u32 $0xFFFF0000, v13;
	[tilespmem:v7+s20+$0x0] =	vst.idx.add.f32.msk $0xffff, v3;
	v3 =	vand.u32 $0xFFFF0000, v5  }
0x92: {  	[tilespmem:v15+s20+$0x0] =	vst.idx.add.f32.msk $0xffff, v6;
	v5 =	vshll.u32 v5, $0x10;
	v7 =	vshll.u32 v13, $0x10;
	v10 =	vadd.f32 v10, v20  }
0x93: {  	v1 =	vadd.f32 v1, v19;
	v5 =	vmul.f32 v5, v0;
	v0 =	vmul.f32 v3, v0  }
0x94: {  	v3 =	vmul.f32 v18, v2;
	v2 =	vmul.f32 v7, v2;
	[tilespmem:v14+s20+$0x0] =	vst.idx.add.f32.msk $0xffff, v17  }
0x95: {  	[tilespmem:v16+s20+$0x0] =	vst.idx.add.f32.msk $0xffff, v10;
	v0 =	vadd.f32 v5, v0  }
0x96: {  	v2 =	vadd.f32 v2, v3;
	[tilespmem:v4+s20+$0x0] =	vst.idx.add.f32.msk $0xffff, v1  }
0x97: {  	p0 =	seq.s32 s28, $0x20;
	[tilespmem:v9+s20+$0x0] =	vst.idx.add.f32.msk $0xffff, v0  }
0x98: {  	s29 =	sadd.s32 @!p0 s29, s9;
	s30 =	simm.s32 @!p0 $0x0;
	s31 =	simm.s32 @!p0 $0x18000;
	[tilespmem:v8+s20+$0x0] =	vst.idx.add.f32.msk $0xffff, v2  }
0x99: {  	[tilespmem:s31], [sflag:$0x1] =	stream.linear.gather @!p0 [hbm4b:s29+s30], $0x2000, $0x38;
	[tilespmem:$0x1C000] =	vst v63  }
0x9a: {  	_ =	swait.ge [sflag:s25], $0x2000  }
0x9b: {  	[sflag:s25] =	ssyncset.done $0x0  }
0x9c: {  	s29 =	simm.s32 $0x1A080;
	[sflag:s25] =	ssyncadd.s32 $0xFFFFE000  }
0x9d: {  	v3 =	vld [tilespmem:s29+$0x10]  }
0x9e: {  	v4 =	vld [tilespmem:s29+$0xFFFFFF90]  }
0x9f: {  	v0 =	vld [tilespmem:s29+$0x70]  }
0xa0: {  	v15 =	vld [tilespmem:s29+$0xFFFFFFE0]  }
0xa1: {  	v24 =	vld [tilespmem:s29+$0xFFFFFF80]  }
0xa2: {  	v8 =	vld [tilespmem:s29+$0xFFFFFFC0]  }
0xa3: {  	v1 =	vld [tilespmem:s29+$0x30]  }
0xa4: {  	v6 =	vld [tilespmem:s29+$0x0];
	v61 =	vand.u32 $0x3FFF, v4  }
0xa5: {  	v18 =	vld [tilespmem:s29+$0xFFFFFFB0];
	v13 =	vand.u32 $0x3FFF, v15  }
0xa6: {  	v14 =	vld [tilespmem:s29+$0xFFFFFFD0];
	v21 =	vand.u32 $0x3FFF, v24  }
0xa7: {  	v9 =	vld [tilespmem:s29+$0xFFFFFFF0];
	v26 =	vand.u32 $0x3FFF, v8  }
0xa8: {  	v16 =	vld [tilespmem:s29+$0xFFFFFFA0]  }
0xa9: {  	v11 =	vld.idx.msk [tilespmem:v61+s4+$0x0], $0xffff  }
0xaa: {  	v17 =	vand.u32 $0x3FFF, v18;
	v27 =	vld.idx.msk [tilespmem:v13+s4+$0x0], $0xffff  }
0xab: {  	v23 =	vld.idx.msk [tilespmem:v21+s4+$0x0], $0xffff  }
0xac: {  	v5 =	vand.u32 $0x3FFF, v9;
	v22 =	vld.idx.msk [tilespmem:v26+s4+$0x0], $0xffff  }
0xad: {  	v12 =	vld [tilespmem:s29+$0x40];
	v20 =	vand.u32 $0x3FFF, v14  }
0xae: {  	v2 =	vld [tilespmem:s29+$0x60];
	v7 =	vshrl.u32 v4, $0xE;
	v19 =	vand.u32 $0x3FFF, v16;
	v4 =	vshll.u32 v11, $0x10  }
0xaf: {  	v29 =	vld.idx.msk [tilespmem:v17+s4+$0x0], $0xffff;
	v25 =	vand.u32 $0xFFFF0000, v11;
	v11 =	vshrl.u32 v8, $0xE;
	v31 =	vand.u32 $0xFFFF0000, v27  }
0xb0: {  	v10 =	vld [tilespmem:s29+$0x20];
	v34 =	vshll.u32 v23, $0x10;
	v28 =	vmul.f32 v4, v3;
	v8 =	vmul.f32 v25, v3  }
0xb1: {  	v62 =	vld.idx.msk [tilespmem:v5+s4+$0x0], $0xffff;
	v25 =	vand.u32 $0xFFFF0000, v22;
	v22 =	vshll.u32 v22, $0x10;
	v4 =	vshrl.u32 v18, $0xE  }
0xb2: {  	v18 =	vmul.f32 v25, v12;
	v30 =	vmul.f32 v22, v12;
	v25 =	vand.u32 $0xFFFF0000, v23;
	v22 =	vld.idx.msk [tilespmem:v20+s4+$0x0], $0xffff  }
0xb3: {  	v27 =	vshll.u32 v27, $0x10;
	v28 =	vadd.f32 v28, v8;
	v23 =	vmul.f32 v25, v6;
	v25 =	vld.idx.msk [tilespmem:v19+s4+$0x0], $0xffff  }
0xb4: {  	v63 =	vshll.u32 v29, $0x10;
	v36 =	vmul.f32 v31, v2;
	v35 =	vadd.f32 v30, v18;
	v18 =	vld [tilespmem:s29+$0x50]  }
0xb5: {  	v31 =	vand.u32 $0xFFFF0000, v29;
	v27 =	vmul.f32 v27, v2;
	v33 =	vmul.f32 v63, v1;
	[tilespmem:v7+s18+$0x0] =	vst.idx.add.f32.msk $0xffff, v28  }
0xb6: {  	v31 =	vmul.f32 v31, v1;
	v8 =	vshrl.u32 v15, $0xE;
	v15 =	vshrl.u32 v24, $0xE;
	[tilespmem:v11+s18+$0x0] =	vst.idx.add.f32.msk $0xffff, v35  }
0xb7: {  	v24 =	vand.u32 $0xFFFF0000, v62;
	v30 =	vmul.f32 v34, v6;
	v28 =	vshll.u32 v62, $0x10;
	v29 =	vld.idx.msk [tilespmem:v26+s17+$0x0], $0xffff  }
0xb8: {  	s30 =	simm.s32 $0x1A180;
	s29 =	simm.s32 $0x0;
	v26 =	vadd.f32 v27, v36;
	v27 =	vmul.f32 v24, v0;
	v24 =	vld.idx.msk [tilespmem:v61+s17+$0x0], $0xffff;
	v32 =	vand.u32 $0xFFFF0000, v22  }
.LBB2_5:
0xb9: {  	v34 =	vld [tilespmem:s30+$0x10];
	s29 =	sadd.s32 $0x80, s29;
	v23 =	vadd.f32 v30, v23;
	v30 =	vshll.u32 v22, $0x10  }
0xba: {  	v35 =	vld [tilespmem:s30+$0xFFFFFF90];
	p0 =	slt.u32 s29, $0xF80;
	v31 =	vadd.f32 v33, v31  }
0xbb: {  	[tilespmem:v15+s18+$0x0] =	vst.idx.add.f32.msk $0xffff, v23  }
0xbc: {  	v22 =	vshrl.u32 v14, $0xE;
	v14 =	vmul.f32 v32, v18;
	v30 =	vmul.f32 v30, v18;
	v23 =	vld [tilespmem:s30+$0x70]  }
0xbd: {  	v28 =	vmul.f32 v28, v0;
	v33 =	vand.u32 $0xFFFF0000, v29;
	v29 =	vshll.u32 v29, $0x10;
	v32 =	vld [tilespmem:s30+$0x30]  }
0xbe: {  	v14 =	vadd.f32 v30, v14;
	v33 =	vmul.f32 v33, v12;
	v12 =	vmul.f32 v29, v12;
	v21 =	vld.idx.msk [tilespmem:v21+s17+$0x0], $0xffff  }
0xbf: {  	v27 =	vadd.f32 v28, v27;
	v29 =	vand.u32 $0xFFFF0000, v25;
	v25 =	vshll.u32 v25, $0x10;
	[tilespmem:v4+s18+$0x0] =	vst.idx.add.f32.msk $0xffff, v31  }
0xc0: {  	v28 =	vshrl.u32 v16, $0xE;
	v16 =	vmul.f32 v29, v10;
	v29 =	vadd.f32 v12, v33;
	[tilespmem:v8+s18+$0x0] =	vst.idx.add.f32.msk $0xffff, v26  }
0xc1: {  	v12 =	vmul.f32 v25, v10;
	[tilespmem:v22+s18+$0x0] =	vst.idx.add.f32.msk $0xffff, v14  }
0xc2: {  	v25 =	vld [tilespmem:s30+$0x0]  }
0xc3: {  	v12 =	vadd.f32 v12, v16;
	v20 =	vld.idx.msk [tilespmem:v20+s17+$0x0], $0xffff  }
0xc4: {  	v14 =	vand.u32 $0xFFFF0000, v21;
	v16 =	vshll.u32 v21, $0x10;
	v13 =	vld.idx.msk [tilespmem:v13+s17+$0x0], $0xffff  }
0xc5: {  	v21 =	vmul.f32 v14, v6;
	v26 =	vmul.f32 v16, v6;
	[tilespmem:v28+s18+$0x0] =	vst.idx.add.f32.msk $0xffff, v12  }
0xc6: {  	v30 =	vshrl.u32 v9, $0xE;
	v16 =	vld.idx.msk [tilespmem:v17+s17+$0x0], $0xffff  }
0xc7: {  	v14 =	vld [tilespmem:s30+$0xFFFFFFD0];
	v6 =	vmov v25  }
0xc8: {  	v17 =	vld.idx.msk [tilespmem:v19+s17+$0x0], $0xffff  }
0xc9: {  	v9 =	vld [tilespmem:s30+$0xFFFFFFF0]  }
0xca: {  	v19 =	vand.u32 $0xFFFF0000, v24;
	v12 =	vld [tilespmem:s30+$0x40]  }
0xcb: {  	v24 =	vshll.u32 v24, $0x10;
	v19 =	vmul.f32 v19, v3;
	v25 =	vand.u32 $0xFFFF0000, v13;
	[tilespmem:v30+s18+$0x0] =	vst.idx.add.f32.msk $0xffff, v27  }
0xcc: {  	v24 =	vmul.f32 v24, v3;
	v3 =	vmovc v34;
	v31 =	vand.u32 $0xFFFF0000, v16;
	v33 =	vshll.u32 v16, $0x10;
	v27 =	vld [tilespmem:s30+$0xFFFFFFE0]  }
0xcd: {  	v34 =	vand.u32 $0x3FFF, v35;
	v16 =	vand.u32 $0xFFFF0000, v20;
	v36 =	vld [tilespmem:s30+$0x60]  }
0xce: {  	v39 =	vmul.f32 v16, v18;
	v38 =	vand.u32 $0xFFFF0000, v17;
	v17 =	vshll.u32 v17, $0x10;
	v37 =	vld [tilespmem:s30+$0xFFFFFFC0]  }
0xcf: {  	v19 =	vadd.f32 v24, v19;
	v20 =	vshll.u32 v20, $0x10;
	v24 =	vmul.f32 v38, v10;
	v16 =	vld [tilespmem:s30+$0xFFFFFFA0]  }
0xd0: {  	v31 =	vmul.f32 v31, v1;
	v18 =	vmul.f32 v20, v18;
	v20 =	vshll.u32 v13, $0x10;
	v38 =	vld [tilespmem:s30+$0xFFFFFFB0]  }
0xd1: {  	v13 =	vmul.f32 v33, v1;
	v1 =	vmov v32;
	v10 =	vmul.f32 v17, v10;
	v40 =	vld [tilespmem:s30+$0xFFFFFF80]  }
0xd2: {  	[tilespmem:v11+s20+$0x0] =	vst.idx.add.f32.msk $0xffff, v29;
	v11 =	vadd.f32 v18, v39  }
0xd3: {  	v17 =	vand.u32 $0x3FFF, v9;
	v10 =	vadd.f32 v10, v24;
	v18 =	vadd.f32 v13, v31;
	[tilespmem:v7+s20+$0x0] =	vst.idx.add.f32.msk $0xffff, v19  }
0xd4: {  	v13 =	vand.u32 $0x3FFF, v27;
	v19 =	vadd.f32 v26, v21;
	v24 =	vld.idx.msk [tilespmem:v5+s17+$0x0], $0xffff;
	v5 =	vmov v17  }
0xd5: {  	v29 =	vand.u32 $0x3FFF, v37;
	v26 =	vld.idx.msk [tilespmem:v34+s4+$0x0], $0xffff  }
0xd6: {  	v7 =	vshrl.u32 v35, $0xE;
	v21 =	vand.u32 $0x3FFF, v40;
	[tilespmem:v15+s20+$0x0] =	vst.idx.add.f32.msk $0xffff, v19  }
0xd7: {  	[tilespmem:v28+s20+$0x0] =	vst.idx.add.f32.msk $0xffff, v10  }
0xd8: {  	v17 =	vand.u32 $0x3FFF, v38;
	v10 =	vld [tilespmem:s30+$0x20]  }
0xd9: {  	v19 =	vmul.f32 v25, v2;
	v25 =	vmul.f32 v20, v2;
	v2 =	vmov v36;
	v15 =	vld.idx.msk [tilespmem:v13+s4+$0x0], $0xffff  }
0xda: {  	v20 =	vand.u32 $0x3FFF, v14;
	v31 =	vand.u32 $0xFFFF0000, v24;
	v24 =	vshll.u32 v24, $0x10;
	v28 =	vld.idx.msk [tilespmem:v29+s4+$0x0], $0xffff  }
0xdb: {  	v33 =	vand.u32 $0xFFFF0000, v26;
	v26 =	vshll.u32 v26, $0x10;
	v24 =	vmul.f32 v24, v0;
	v32 =	vld.idx.msk [tilespmem:v21+s4+$0x0], $0xffff  }
0xdc: {  	v31 =	vmul.f32 v31, v0;
	v0 =	vmov v23;
	v26 =	vmul.f32 v26, v3;
	v35 =	vld.idx.msk [tilespmem:v5+s4+$0x0], $0xffff  }
0xdd: {  	v23 =	vshrl.u32 v38, $0xE;
	[tilespmem:v22+s20+$0x0] =	vst.idx.add.f32.msk $0xffff, v11;
	v22 =	vadd.f32 v25, v19  }
0xde: {  	v24 =	vadd.f32 v24, v31;
	v19 =	vand.u32 $0x3FFF, v16;
	v11 =	vshrl.u32 v37, $0xE;
	v36 =	vld.idx.msk [tilespmem:v17+s4+$0x0], $0xffff  }
0xdf: {  	v25 =	vmul.f32 v33, v3;
	[tilespmem:v4+s20+$0x0] =	vst.idx.add.f32.msk $0xffff, v18;
	v4 =	vmov v23  }
0xe0: {  	v18 =	vand.u32 $0xFFFF0000, v28;
	v23 =	vshll.u32 v28, $0x10;
	[tilespmem:v30+s20+$0x0] =	vst.idx.add.f32.msk $0xffff, v24  }
0xe1: {  	v28 =	vand.u32 $0xFFFF0000, v15;
	v18 =	vmul.f32 v18, v12;
	v24 =	vmul.f32 v23, v12;
	[tilespmem:v8+s20+$0x0] =	vst.idx.add.f32.msk $0xffff, v22  }
0xe2: {  	v26 =	vadd.f32 v26, v25;
	v30 =	vshll.u32 v32, $0x10;
	v8 =	vand.u32 $0xFFFF0000, v32;
	v22 =	vld.idx.msk [tilespmem:v20+s4+$0x0], $0xffff  }
0xe3: {  	v32 =	vmul.f32 v28, v2;
	v23 =	vmul.f32 v8, v6;
	v24 =	vadd.f32 v24, v18;
	v25 =	vld.idx.msk [tilespmem:v19+s4+$0x0], $0xffff  }
.Ltmp1:
0xe4: {  	v30 =	vmul.f32 v30, v6;
	v8 =	vshrl.u32 v27, $0xE;
	v27 =	vshll.u32 v15, $0x10;
	v18 =	vld [tilespmem:s30+$0x50];
	(pc) =	sbr.rel @p0 .LBB2_5-.Ltmp1, $4  }
0xe5: {  	v15 =	vshrl.u32 v40, $0xE;
	v28 =	vand.u32 $0xFFFF0000, v36;
	[tilespmem:v11+s18+$0x0] =	vst.idx.add.f32.msk $0xffff, v24;
	v24 =	vmul.f32 v27, v2  }
0xe6: {  	v31 =	vmul.f32 v28, v1;
	v28 =	vshll.u32 v35, $0x10;
	v27 =	vand.u32 $0xFFFF0000, v35;
	[tilespmem:v7+s18+$0x0] =	vst.idx.add.f32.msk $0xffff, v26  }
0xe7: {  	v33 =	vshll.u32 v36, $0x10;
	v27 =	vmul.f32 v27, v0;
	v29 =	vld.idx.msk [tilespmem:v29+s17+$0x0], $0xffff;
	v26 =	vadd.f32 v24, v32  }
0xe8: {  	v33 =	vmul.f32 v33, v1;
	s30 =	sadd.s32 $0x100, s30;
	v32 =	vand.u32 $0xFFFF0000, v22;
	v24 =	vld.idx.msk [tilespmem:v34+s17+$0x0], $0xffff  }
0xe9: {  	_ =	sdelay $0x3  }
0xea: {  	v23 =	vadd.f32 v30, v23;
	[tilespmem:v8+s18+$0x0] =	vst.idx.add.f32.msk $0xffff, v26  }
0xeb: {  	v22 =	vshll.u32 v22, $0x10;
	v14 =	vshrl.u32 v14, $0xE;
	v34 =	vmul.f32 v32, v18;
	v13 =	vld.idx.msk [tilespmem:v13+s17+$0x0], $0xffff  }
0xec: {  	v9 =	vshrl.u32 v9, $0xE;
	v33 =	vadd.f32 v33, v31;
	v22 =	vmul.f32 v22, v18;
	[tilespmem:v15+s18+$0x0] =	vst.idx.add.f32.msk $0xffff, v23  }
0xed: {  	v35 =	vand.u32 $0xFFFF0000, v25;
	v28 =	vmul.f32 v28, v0;
	v21 =	vld.idx.msk [tilespmem:v21+s17+$0x0], $0xffff  }
0xee: {  	v36 =	vshll.u32 v25, $0x10;
	v16 =	vshrl.u32 v16, $0xE;
	v22 =	vadd.f32 v22, v34;
	[tilespmem:v4+s18+$0x0] =	vst.idx.add.f32.msk $0xffff, v33  }
0xef: {  	v25 =	vmul.f32 v36, v10;
	v23 =	vmul.f32 v35, v10;
	v42 =	vadd.f32 v28, v27;
	v17 =	vld.idx.msk [tilespmem:v17+s17+$0x0], $0xffff  }
0xf0: {  	v38 =	vand.u32 $0xFFFF0000, v29;
	[tilespmem:v14+s18+$0x0] =	vst.idx.add.f32.msk $0xffff, v22  }
0xf1: {  	v39 =	vshll.u32 v29, $0x10;
	v37 =	vadd.f32 v25, v23;
	v40 =	vmul.f32 v38, v12;
	[tilespmem:v9+s18+$0x0] =	vst.idx.add.f32.msk $0xffff, v42  }
0xf2: {  	v41 =	vmul.f32 v39, v12;
	v44 =	vand.u32 $0xFFFF0000, v24;
	v46 =	vshll.u32 v24, $0x10;
	v20 =	vld.idx.msk [tilespmem:v20+s17+$0x0], $0xffff  }
0xf3: {  	v47 =	vmul.f32 v44, v3;
	v48 =	vmul.f32 v46, v3;
	[tilespmem:v16+s18+$0x0] =	vst.idx.add.f32.msk $0xffff, v37;
	v58 =	vand.u32 $0xFFFF0000, v13  }
0xf4: {  	v12 =	vadd.f32 v41, v40;
	v5 =	vld.idx.msk [tilespmem:v5+s17+$0x0], $0xffff;
	v60 =	vshll.u32 v13, $0x10;
	v62 =	vmul.f32 v58, v2  }
0xf5: {  	v19 =	vld.idx.msk [tilespmem:v19+s17+$0x0], $0xffff;
	v63 =	vmul.f32 v60, v2;
	v43 =	vand.u32 $0xFFFF0000, v21;
	v21 =	vshll.u32 v21, $0x10  }
0xf6: {  	v3 =	vadd.f32 v48, v47;
	v22 =	vmul.f32 v43, v6;
	v45 =	vmul.f32 v21, v6  }
0xf7: {  	v49 =	vand.u32 $0xFFFF0000, v17;
	v17 =	vshll.u32 v17, $0x10;
	v2 =	vadd.f32 v63, v62  }
0xf8: {  	v55 =	vmul.f32 v49, v1;
	v56 =	vmul.f32 v17, v1;
	v50 =	vand.u32 $0xFFFF0000, v20  }
0xf9: {  	[tilespmem:v11+s20+$0x0] =	vst.idx.add.f32.msk $0xffff, v12;
	v20 =	vshll.u32 v20, $0x10;
	v6 =	vadd.f32 v45, v22;
	v59 =	vand.u32 $0xFFFF0000, v5  }
0xfa: {  	[tilespmem:v7+s20+$0x0] =	vst.idx.add.f32.msk $0xffff, v3;
	v5 =	vshll.u32 v5, $0x10;
	v51 =	vand.u32 $0xFFFF0000, v19;
	v23 =	vmul.f32 v50, v18  }
0xfb: {  	s28 =	sadd.s32 $0x1, s28;
	[tilespmem:v8+s20+$0x0] =	vst.idx.add.f32.msk $0xffff, v2;
	v19 =	vshll.u32 v19, $0x10;
	v52 =	vmul.f32 v20, v18;
	v5 =	vmul.f32 v5, v0  }
0xfc: {  	p0 =	sne.s32 s28, $0x21;
	v1 =	vadd.f32 v56, v55;
	v61 =	vmul.f32 v59, v0;
	v53 =	vmul.f32 v51, v10  }
.Ltmp2:
0xfd: {  	v54 =	vmul.f32 v19, v10;
	[tilespmem:v15+s20+$0x0] =	vst.idx.add.f32.msk $0xffff, v6;
	v57 =	vadd.f32 v52, v23;
	(pc) =	sbr.rel @p0 .LBB2_2-.Ltmp2, $4  }
0xfe: {  	v0 =	vadd.f32 v5, v61;
	[tilespmem:v4+s20+$0x0] =	vst.idx.add.f32.msk $0xffff, v1  }
0xff: {  	v10 =	vadd.f32 v54, v53;
	[tilespmem:v14+s20+$0x0] =	vst.idx.add.f32.msk $0xffff, v57  }
0x100: {  	[tilespmem:v9+s20+$0x0] =	vst.idx.add.f32.msk $0xffff, v0  }
0x101: {  	[tilespmem:v16+s20+$0x0] =	vst.idx.add.f32.msk $0xffff, v10  }
0x102: {  	[hbm4b:s8+s14] =	stream.strided.scatter [tilespmem:s18], [sflag:$0x3], $0x4000, s15, s14, $0x38;
	[tilespmem:$0x1C000] =	vst v63  }
0x103: {  	_ =	swait.ge [sflag:s16], $0x4000  }
0x104: {  	[sflag:s16] =	ssyncset.done $0x0  }
0x105: {  	[sflag:s16] =	ssyncadd.s32 $0xFFFFC000  }
0x106: {  	[hbm4b:s10+s14] =	stream.strided.scatter [tilespmem:s19], [sflag:$0x3], $0x4000, s15, s14, $0x38;
	[tilespmem:$0x1C000] =	vst v63  }
0x107: {  	_ =	swait.ge [sflag:s16], $0x4000  }
0x108: {  	[sflag:s16] =	ssyncset.done $0x0  }
0x109: {  	[sflag:s16] =	ssyncadd.s32 $0xFFFFC000  }
0x10a: {  	[hbm4b:s11+s14] =	stream.strided.scatter [tilespmem:s20], [sflag:$0x3], $0x4000, s15, s14, $0x38;
	[tilespmem:$0x1C000] =	vst v63  }
0x10b: {  	s26 =	sadd.s32 $0x1, s26;
	_ =	swait.ge [sflag:s16], $0x4000  }
0x10c: {  	p0 =	sne.s32 s26, s13;
	[sflag:s16] =	ssyncset.done $0x0  }
.Ltmp3:
0x10d: {  	[sflag:s16] =	ssyncadd.s32 $0xFFFFC000;
	(pc) =	sbr.rel @p0 .LBB2_1-.Ltmp3, $4  }
0x10e: {  	[hbm4b:s12+s14] =	stream.strided.scatter [tilespmem:s21], [sflag:$0x3], $0x4000, s15, s14, $0x38;
	[tilespmem:$0x1C000] =	vst v63  }
0x10f: {  	_ =	swait.ge [sflag:s16], $0x4000  }
0x110: {  	[sflag:s16] =	ssyncset.done $0x0  }
0x111: {  	[sflag:s16] =	ssyncadd.s32 $0xFFFFC000  }
0x112: {  	_ =	sfence.sel $0x180000  }
0x113: {  	[bflag:$0x0] =	sbarrier.arrive $0xFFFF  }
0x114: {  	p0 =	sne.s32 s3, $0x0;
	_ =	strace $0x90000047  }
0x115: {  	s0 =	sadd.s32 @!p0 $0x100000, s0;
	[bflag:$0x2] =	sbarrier.arrive $0xFFFF  }
0x116: {  	[sflag:s0] =	ssyncadd.tile.s32 @!p0 $0x1;
	_ =	shalt  }
.Lfunc_end2:
_tile_overlayer_lowered:
.L_overlay_start_2:
0x117: {  	(tag) =	ssettag $0x2  }
0x118: {  	s0 =	rddreg [dreg:$0x0];
	s2 =	stileid.u32  }
0x119: {  	s1 =	rddreg [dreg:$0x1];
	p0 =	sne.s32 s2, $0x0  }
0x11a: {  	s3 =	rddreg [dreg:$0x2];
	[bflag:$0x3] =	sbarrier.arrive $0xFFFF;
	s2 =	simm.s32 @!p0 $0x1C03  }
0x11b: {  	[timem:s3], [sflag:s2] =	dma.local @!p0 [hbm:s0], s1  }
0x11c: {  	s0 =	simm.s32 @!p0 $0x3  }
0x11d: {  	_ =	swait.ge @!p0 [sflag:s0], s1  }
0x11e: {  	s1 =	ssub.s32 @!p0 $0x0, s1;
	[sflag:s0] =	ssyncset.done @!p0 $0x0  }
0x11f: {  	[sflag:s0] =	ssyncadd.s32 @!p0 s1  }
0x120: {  	[bflag:$0x3] =	sbarrier.arrive $0xFFFF  }
0x121: {  	_ =	shalt  }

</sc_bundles>
